<compile_context>
chip_gen: v7x
topology: tpu7x:2x2x1
jax: 0.10.2.dev20260603
libtpu: 0.0.44.dev20260713+nightly
codegen_flags: <defaults>
</compile_context>

<pallas_src>
import jax
import jax.numpy as jnp
from jax import lax
from jax.experimental import pallas as pl
from jax.experimental.pallas import tpu as pltpu
from jax.experimental.pallas import tpu_sc as plsc

N_NODES = 5
D = 16
NC, NS = 2, 16
NW = NC * NS
B, H, W = 32, 256, 256
HBLK = 8
N_BLOCKS = H // HBLK


def _gcn_table_body(A_ref, emb_ref, W0_ref, W1_ref, W2_ref, Wf_ref, bf_ref,
                    tableT_ref):
    f32 = jnp.float32
    dot = lambda x, w: lax.dot_general(
        x, w, (((1,), (1,)), ((), ())), preferred_element_type=f32)
    A = A_ref[...]
    emb = emb_ref[...]
    x = jnp.dot(A, emb, preferred_element_type=f32)
    x = jnp.maximum(dot(x, W0_ref[...]), 0.0)
    x = jnp.dot(A, x, preferred_element_type=f32)
    x = jnp.maximum(dot(x, W1_ref[...]), 0.0)
    x = jnp.dot(A, x, preferred_element_type=f32)
    x = jnp.maximum(dot(x, W2_ref[...]), 0.0)
    x = dot(x, Wf_ref[...]) + bf_ref[...]
    r = lax.broadcasted_iota(jnp.int32, (N_NODES, 128), 0)
    c = lax.broadcasted_iota(jnp.int32, (N_NODES, 128), 1)
    sel_gcn = (c == r + 1).astype(f32)
    sel_emb = ((c == 0) & (r == 0)).astype(f32)
    dott = lambda x_, s: lax.dot_general(
        x_, s, (((0,), (0,)), ((), ())), preferred_element_type=f32)
    tableT_ref[...] = dott(emb, sel_emb) + dott(x, sel_gcn)


_table_call = pl.pallas_call(
    _gcn_table_body,
    out_shape=jax.ShapeDtypeStruct((D, 128), jnp.float32),
)


def _sc_expand_body(gs_hbm, tableT_hbm, out_hbm, gs_v, tabT_v, outb, sem_i,
                    sem_o):
    wid = lax.axis_index("s") * NC + lax.axis_index("c")
    pltpu.sync_copy(tableT_hbm, tabT_v)
    for b in range(2):
        pltpu.async_copy(
            gs_hbm.at[wid, pl.ds(b * HBLK, HBLK)], gs_v[b], sem_i[b])

    def outer(i, carry):
        for b in range(2):
            g = i * 2 + b
            pltpu.make_async_copy(
                gs_hbm.at[wid, pl.ds(0, HBLK)], gs_v[b], sem_i[b]).wait()
            @pl.when(i >= 1)
            def _():
                pltpu.make_async_copy(
                    outb[b], out_hbm.at[wid, pl.ds(0, HBLK)], sem_o[b]).wait()

            @plsc.parallel_loop(0, HBLK * D, unroll=8)
            def wgroup(t):
                h = t >> 4
                wb = (t >> 3) & 1
                jj = t & 7
                idx = gs_v[b][h, pl.ds(wb * 128 + jj * D, D)]
                w0 = jj * D
                for d in range(D):
                    col = plsc.load_gather(tabT_v.at[d], [idx])
                    outb[b][h, d // 8, wb, d % 8, pl.ds(w0, D)] = col

            pltpu.async_copy(
                outb[b], out_hbm.at[wid, pl.ds(g * HBLK, HBLK)], sem_o[b])
            @pl.when(g + 2 < N_BLOCKS)
            def _():
                pltpu.async_copy(
                    gs_hbm.at[wid, pl.ds((g + 2) * HBLK, HBLK)], gs_v[b],
                    sem_i[b])
        return carry

    lax.fori_loop(0, N_BLOCKS // 2, outer, 0)
    for b in range(2):
        pltpu.make_async_copy(
            outb[b], out_hbm.at[wid, pl.ds(0, HBLK)], sem_o[b]).wait()


_sc_call = pl.kernel(
    _sc_expand_body,
    out_type=jax.ShapeDtypeStruct((B, H, 2, 2, 8, 128), jnp.float32),
    mesh=plsc.VectorSubcoreMesh(core_axis_name="c", subcore_axis_name="s"),
    compiler_params=pltpu.CompilerParams(
        use_tc_tiling_on_sc=True, needs_layout_passes=False),
    scratch_types=[
        [pltpu.VMEM((HBLK, W), jnp.int32) for _ in range(2)],
        pltpu.VMEM((D, 128), jnp.float32),
        [pltpu.VMEM((HBLK, 2, 2, 8, 128), jnp.float32) for _ in range(2)],
        [pltpu.SemaphoreType.DMA for _ in range(2)],
        [pltpu.SemaphoreType.DMA for _ in range(2)],
    ],
)


def kernel(game_state, A, emb, W0, W1, W2, Wf, bf):
    tableT = _table_call(A, emb, W0, W1, W2, Wf, bf.reshape(1, D))
    out6 = _sc_call(game_state, tableT)
    out = out6.transpose(0, 1, 3, 5, 2, 4).reshape(B, H, W, D)
    return out

# --- scband reference (transcript-rebuilt; emitter-appended) ---
"""Pipeline reference for scband-gcn-81406810128958 (READ-ONLY COPY).

The authoritative reference and input builder live on the scoring server;
editing this copy changes nothing except your own understanding.
"""

import jax, jax.numpy as jnp
import numpy as np

N_NODES = 5


def setup_inputs(seed: int = 0) -> dict:
    key = jax.random.key(seed)
    ks = jax.random.split(key, 8)
    # game_state: integer grid with values in [0, 5); values v in [1,5] are game chars
    # mapped from node n via node_to_game_char[n] = n + 1. Values must also be valid
    # embedding indices (< 5), so we draw from [0, 5).
    game_state = jax.random.randint(ks[0], (32, 256, 256), 0, 5, dtype=jnp.int32)
    # Parameters (mirroring the torch module)
    A = jnp.eye(N_NODES, dtype=jnp.float32)  # A_raw = eye(n), wrapped as Parameter
    emb = jax.random.normal(ks[1], (N_NODES, 16), dtype=jnp.float32) * 0.1
    W0 = jax.random.normal(ks[2], (32, 16), dtype=jnp.float32) * (1.0 / np.sqrt(16))
    W1 = jax.random.normal(ks[3], (32, 32), dtype=jnp.float32) * (1.0 / np.sqrt(32))
    W2 = jax.random.normal(ks[4], (32, 32), dtype=jnp.float32) * (1.0 / np.sqrt(32))
    Wf = jax.random.normal(ks[5], (16, 32), dtype=jnp.float32) * (1.0 / np.sqrt(32))
    bf = jnp.zeros((16,), dtype=jnp.float32)
    return {"game_state": game_state, "A": A, "emb": emb, "W0": W0, "W1": W1,
            "W2": W2, "Wf": Wf, "bf": bf}


def _gcn_embed(A, emb, W0, W1, W2, Wf, bf):
    # nodes = arange(n); node_embeddings = get_obj_emb(nodes) == emb table itself
    x = A @ emb                    # torch.mm(A, node_embeddings)
    x = jax.nn.relu(x @ W0.T)      # relu(W0(x)), Linear no bias
    x = A @ x
    x = jax.nn.relu(x @ W1.T)
    x = A @ x
    x = jax.nn.relu(x @ W2.T)
    x = x @ Wf.T + bf              # final_mapping (Linear with bias)
    return x                       # [n, 16]


def reference(game_state, A, emb, W0, W1, W2, Wf, bf):
    # add_state_info: embedding gather over the full grid
    game_state_embed = jnp.take(emb, game_state, axis=0)  # [B, H, W, 16]
    node_embeddings = _gcn_embed(A, emb, W0, W1, W2, Wf, bf)  # [5, 16]
    # For each node n, positions where game_state == node_to_game_char[n] (= n+1)
    # get overwritten with node_embeddings[n] (scatter-overwrite semantics).
    idx = game_state - 1
    valid = (game_state >= 1) & (game_state <= N_NODES)
    repl = jnp.take(node_embeddings, jnp.clip(idx, 0, N_NODES - 1), axis=0)
    out = jnp.where(valid[..., None], repl, game_state_embed)
    return out

if __name__ == "__main__":
    import jax
    _d = setup_inputs()
    print(jax.jit(kernel)(*tuple(_d.values())))

</pallas_src>

<mosaic_0001>
#map = affine_map<(d0, d1) -> (0, 0, 0)>
#map1 = affine_map<(d0, d1) -> (0, 0)>
#map2 = affine_map<(d0, d1) -> (0, 0, 0, 0, 0, 0)>
module attributes {stable_mosaic.version = 14 : i64} {
  func.func @_sc_expand_body(%arg0: i32, %arg1: i32, %arg2: memref<32x256x256xi32, #tpu.memory_space<hbm>>, %arg3: memref<16x128xf32, #tpu.memory_space<hbm>>, %arg4: memref<32x256x2x2x8x128xf32, #tpu.memory_space<hbm>>, %arg5: memref<8x256xi32, #tpu.memory_space<vmem>>, %arg6: memref<8x256xi32, #tpu.memory_space<vmem>>, %arg7: memref<16x128xf32, #tpu.memory_space<vmem>>, %arg8: memref<8x2x2x8x128xf32, #tpu.memory_space<vmem>>, %arg9: memref<8x2x2x8x128xf32, #tpu.memory_space<vmem>>, %arg10: memref<!tpu.dma_semaphore, #tpu.memory_space<semaphore_mem>>, %arg11: memref<!tpu.dma_semaphore, #tpu.memory_space<semaphore_mem>>, %arg12: memref<!tpu.dma_semaphore, #tpu.memory_space<semaphore_mem>>, %arg13: memref<!tpu.dma_semaphore, #tpu.memory_space<semaphore_mem>>) attributes {dimension_semantics = [#tpu.dimension_semantics<core_parallel>, #tpu.dimension_semantics<subcore_parallel>], iteration_bounds = array<i64: 2, 16>, scalar_prefetch = 0 : i64, scratch_operands = 9 : i64, tpu.core_type = #tpu.core_type<sc_vector_subcore>, window_params = [{transform_indices = #map}, {transform_indices = #map1}, {transform_indices = #map2}]} {
    %mul3A = arith.constant 2 : i32
    %mul3A_0 = arith.muli %arg1, %mul3A : i32
    %add3A = arith.addi %mul3A_0, %arg0 : i32
    "tpu.region"() ({
      %run_scoped3A = tpu.sem_alloc : memref<!tpu.dma_semaphore, #tpu.memory_space<semaphore_mem>>
      tpu.enqueue_dma source(%arg3 : memref<16x128xf32, #tpu.memory_space<hbm>>) target(%arg7 : memref<16x128xf32, #tpu.memory_space<vmem>>) target_semaphore(%run_scoped3A : memref<!tpu.dma_semaphore, #tpu.memory_space<semaphore_mem>>)
      tpu.wait_dma2 semaphore(%run_scoped3A : memref<!tpu.dma_semaphore, #tpu.memory_space<semaphore_mem>>) src(%arg3 : memref<16x128xf32, #tpu.memory_space<hbm>>) dst(%arg7 : memref<16x128xf32, #tpu.memory_space<vmem>>)
      tpu.yield
    }) : () -> ()
    %dma_start3A = arith.constant 0 : i32
    %dma_start3A_1 = arith.constant 0 : i32
    %dma_start3A_2 = tpu.memref_slice %arg2[%add3A, %dma_start3A, %dma_start3A_1] : memref<32x256x256xi32, #tpu.memory_space<hbm>> -> memref<1x8x256xi32, #tpu.memory_space<hbm>>
    %dma_start3A_3 = tpu.memref_squeeze %dma_start3A_2 : memref<1x8x256xi32, #tpu.memory_space<hbm>> -> memref<8x256xi32, #tpu.memory_space<hbm>>
    %dma_start3A_4 = arith.constant 0 : i32
    %dma_start3A_5 = arith.constant 0 : i32
    %dma_start3A_6 = tpu.memref_slice %arg2[%add3A, %dma_start3A_4, %dma_start3A_5] : memref<32x256x256xi32, #tpu.memory_space<hbm>> -> memref<1x8x256xi32, #tpu.memory_space<hbm>>
    %dma_start3A_7 = tpu.memref_squeeze %dma_start3A_6 : memref<1x8x256xi32, #tpu.memory_space<hbm>> -> memref<8x256xi32, #tpu.memory_space<hbm>>
    tpu.enqueue_dma source(%dma_start3A_7 : memref<8x256xi32, #tpu.memory_space<hbm>>) target(%arg5 : memref<8x256xi32, #tpu.memory_space<vmem>>) target_semaphore(%arg10 : memref<!tpu.dma_semaphore, #tpu.memory_space<semaphore_mem>>)
    %dma_start3A_8 = arith.constant 8 : i32
    %dma_start3A_9 = arith.constant 0 : i32
    %dma_start3A_10 = tpu.memref_slice %arg2[%add3A, %dma_start3A_8, %dma_start3A_9] : memref<32x256x256xi32, #tpu.memory_space<hbm>> -> memref<1x8x256xi32, #tpu.memory_space<hbm>>
    %dma_start3A_11 = tpu.memref_squeeze %dma_start3A_10 : memref<1x8x256xi32, #tpu.memory_space<hbm>> -> memref<8x256xi32, #tpu.memory_space<hbm>>
    %dma_start3A_12 = arith.constant 8 : i32
    %dma_start3A_13 = arith.constant 0 : i32
    %dma_start3A_14 = tpu.memref_slice %arg2[%add3A, %dma_start3A_12, %dma_start3A_13] : memref<32x256x256xi32, #tpu.memory_space<hbm>> -> memref<1x8x256xi32, #tpu.memory_space<hbm>>
    %dma_start3A_15 = tpu.memref_squeeze %dma_start3A_14 : memref<1x8x256xi32, #tpu.memory_space<hbm>> -> memref<8x256xi32, #tpu.memory_space<hbm>>
    tpu.enqueue_dma source(%dma_start3A_15 : memref<8x256xi32, #tpu.memory_space<hbm>>) target(%arg6 : memref<8x256xi32, #tpu.memory_space<vmem>>) target_semaphore(%arg11 : memref<!tpu.dma_semaphore, #tpu.memory_space<semaphore_mem>>)
    %scan3A = arith.constant 0 : i32
    %scan3A_16 = arith.constant 0 : i32
    %scan3A_17 = arith.constant 16 : i32
    %scan3A_18 = arith.addi %scan3A_16, %scan3A_17 : i32
    %scan3A_19 = arith.constant 1 : i32
    scf.for %scan3A_48 = %scan3A_16 to %scan3A_18 step %scan3A_19  : i32 {
      %mul3A_49 = arith.constant 2 : i32
      %mul3A_50 = arith.muli %scan3A_48, %mul3A_49 : i32
      %add3A_51 = arith.constant 0 : i32
      %add3A_52 = arith.addi %mul3A_50, %add3A_51 : i32
      %dma_wait3A_53 = arith.constant 0 : i32
      %dma_wait3A_54 = arith.constant 0 : i32
      %dma_wait3A_55 = tpu.memref_slice %arg2[%add3A, %dma_wait3A_53, %dma_wait3A_54] : memref<32x256x256xi32, #tpu.memory_space<hbm>> -> memref<1x8x256xi32, #tpu.memory_space<hbm>>
      %dma_wait3A_56 = tpu.memref_squeeze %dma_wait3A_55 : memref<1x8x256xi32, #tpu.memory_space<hbm>> -> memref<8x256xi32, #tpu.memory_space<hbm>>
      %dma_wait3A_57 = arith.constant 0 : i32
      %dma_wait3A_58 = arith.constant 0 : i32
      %dma_wait3A_59 = tpu.memref_slice %arg2[%add3A, %dma_wait3A_57, %dma_wait3A_58] : memref<32x256x256xi32, #tpu.memory_space<hbm>> -> memref<1x8x256xi32, #tpu.memory_space<hbm>>
      %dma_wait3A_60 = tpu.memref_squeeze %dma_wait3A_59 : memref<1x8x256xi32, #tpu.memory_space<hbm>> -> memref<8x256xi32, #tpu.memory_space<hbm>>
      tpu.wait_dma2 semaphore(%arg10 : memref<!tpu.dma_semaphore, #tpu.memory_space<semaphore_mem>>) src(%dma_wait3A_60 : memref<8x256xi32, #tpu.memory_space<hbm>>) dst(%arg5 : memref<8x256xi32, #tpu.memory_space<vmem>>)
      %ge3A = arith.constant 1 : i32
      %ge3A_61 = arith.cmpi sge, %scan3A_48, %ge3A : i32
      %convert_element_type3A = arith.extui %ge3A_61 : i1 to i32
      %cond3A = arith.constant 0 : i32
      %cond3A_62 = arith.cmpi ne, %convert_element_type3A, %cond3A : i32
      scf.if %cond3A_62 {
        %dma_wait3A_126 = arith.constant 0 : i32
        %dma_wait3A_127 = arith.constant 0 : i32
        %dma_wait3A_128 = arith.constant 0 : i32
        %dma_wait3A_129 = arith.constant 0 : i32
        %dma_wait3A_130 = arith.constant 0 : i32
        %dma_wait3A_131 = tpu.memref_slice %arg4[%add3A, %dma_wait3A_126, %dma_wait3A_127, %dma_wait3A_128, %dma_wait3A_129, %dma_wait3A_130] : memref<32x256x2x2x8x128xf32, #tpu.memory_space<hbm>> -> memref<1x8x2x2x8x128xf32, #tpu.memory_space<hbm>>
        %dma_wait3A_132 = tpu.memref_squeeze %dma_wait3A_131 : memref<1x8x2x2x8x128xf32, #tpu.memory_space<hbm>> -> memref<8x2x2x8x128xf32, #tpu.memory_space<hbm>>
        %dma_wait3A_133 = arith.constant 0 : i32
        %dma_wait3A_134 = arith.constant 0 : i32
        %dma_wait3A_135 = arith.constant 0 : i32
        %dma_wait3A_136 = arith.constant 0 : i32
        %dma_wait3A_137 = arith.constant 0 : i32
        %dma_wait3A_138 = tpu.memref_slice %arg4[%add3A, %dma_wait3A_133, %dma_wait3A_134, %dma_wait3A_135, %dma_wait3A_136, %dma_wait3A_137] : memref<32x256x2x2x8x128xf32, #tpu.memory_space<hbm>> -> memref<1x8x2x2x8x128xf32, #tpu.memory_space<hbm>>
        %dma_wait3A_139 = tpu.memref_squeeze %dma_wait3A_138 : memref<1x8x2x2x8x128xf32, #tpu.memory_space<hbm>> -> memref<8x2x2x8x128xf32, #tpu.memory_space<hbm>>
        tpu.wait_dma2 semaphore(%arg12 : memref<!tpu.dma_semaphore, #tpu.memory_space<semaphore_mem>>) src(%arg8 : memref<8x2x2x8x128xf32, #tpu.memory_space<vmem>>) dst(%dma_wait3A_139 : memref<8x2x2x8x128xf32, #tpu.memory_space<hbm>>)
      } else {
      }
      %parallel_loop3A = arith.constant 0 : i32
      %parallel_loop3A_63 = arith.constant 128 : i32
      %parallel_loop3A_64 = arith.constant 1 : i32
      scf.for %parallel_loop3A_126 = %parallel_loop3A to %parallel_loop3A_63 step %parallel_loop3A_64  : i32 {
        %parallel_loop3A_127 = arith.constant 4 : i32
        %parallel_loop3A_128 = arith.shrsi %parallel_loop3A_126, %parallel_loop3A_127 : i32
        %parallel_loop3A_129 = arith.constant 3 : i32
        %parallel_loop3A_130 = arith.shrsi %parallel_loop3A_126, %parallel_loop3A_129 : i32
        %parallel_loop3A_131 = arith.constant 1 : i32
        %parallel_loop3A_132 = arith.andi %parallel_loop3A_130, %parallel_loop3A_131 : i32
        %parallel_loop3A_133 = arith.constant 7 : i32
        %parallel_loop3A_134 = arith.andi %parallel_loop3A_126, %parallel_loop3A_133 : i32
        %parallel_loop3A_135 = arith.constant 128 : i32
        %parallel_loop3A_136 = arith.muli %parallel_loop3A_132, %parallel_loop3A_135 : i32
        %parallel_loop3A_137 = arith.constant 16 : i32
        %parallel_loop3A_138 = arith.muli %parallel_loop3A_134, %parallel_loop3A_137 : i32
        %parallel_loop3A_139 = arith.addi %parallel_loop3A_136, %parallel_loop3A_138 : i32
        %parallel_loop3A_140 = arith.index_cast %parallel_loop3A_128 : i32 to index
        %parallel_loop3A_141 = arith.index_cast %parallel_loop3A_139 : i32 to index
        %parallel_loop3A_142 = tpu.vector_load %arg5[%parallel_loop3A_140, %parallel_loop3A_141] {strides = array<i32>} : memref<8x256xi32, #tpu.memory_space<vmem>>, vector<16xi32>,
        %parallel_loop3A_143 = arith.constant 16 : i32
        %parallel_loop3A_144 = arith.muli %parallel_loop3A_134, %parallel_loop3A_143 : i32
        %parallel_loop3A_145 = arith.constant 0 : i32
        %parallel_loop3A_146 = arith.constant 0 : i32
        %parallel_loop3A_147 = tpu.memref_slice %arg7[%parallel_loop3A_145, %parallel_loop3A_146] : memref<16x128xf32, #tpu.memory_space<vmem>> -> memref<1x128xf32, #tpu.memory_space<vmem>>
        %parallel_loop3A_148 = tpu.memref_squeeze %parallel_loop3A_147 : memref<1x128xf32, #tpu.memory_space<vmem>> -> memref<128xf32, #tpu.memory_space<vmem>>
        %parallel_loop3A_149 = tpu.vector_load_idx %parallel_loop3A_148[%parallel_loop3A_142] : memref<128xf32, #tpu.memory_space<vmem>>[vector<16xi32>], vector<16xf32>,
        %parallel_loop3A_150 = arith.constant 0 : i32
        %parallel_loop3A_151 = arith.constant 0 : i32
        %parallel_loop3A_152 = arith.index_cast %parallel_loop3A_128 : i32 to index
        %parallel_loop3A_153 = arith.index_cast %parallel_loop3A_150 : i32 to index
        %parallel_loop3A_154 = arith.index_cast %parallel_loop3A_132 : i32 to index
        %parallel_loop3A_155 = arith.index_cast %parallel_loop3A_151 : i32 to index
        %parallel_loop3A_156 = arith.index_cast %parallel_loop3A_144 : i32 to index
        %parallel_loop3A_157 = tpu.vector_load %arg8[%parallel_loop3A_152, %parallel_loop3A_153, %parallel_loop3A_154, %parallel_loop3A_155, %parallel_loop3A_156] {strides = array<i32>} : memref<8x2x2x8x128xf32, #tpu.memory_space<vmem>>, vector<16xf32>,
        tpu.vector_store %arg8[%parallel_loop3A_152, %parallel_loop3A_153, %parallel_loop3A_154, %parallel_loop3A_155, %parallel_loop3A_156], %parallel_loop3A_149 {strides = array<i32>} : memref<8x2x2x8x128xf32, #tpu.memory_space<vmem>>, vector<16xf32>,
        %parallel_loop3A_158 = arith.constant 1 : i32
        %parallel_loop3A_159 = arith.constant 0 : i32
        %parallel_loop3A_160 = tpu.memref_slice %arg7[%parallel_loop3A_158, %parallel_loop3A_159] : memref<16x128xf32, #tpu.memory_space<vmem>> -> memref<1x128xf32, #tpu.memory_space<vmem>>
        %parallel_loop3A_161 = tpu.memref_squeeze %parallel_loop3A_160 : memref<1x128xf32, #tpu.memory_space<vmem>> -> memref<128xf32, #tpu.memory_space<vmem>>
        %parallel_loop3A_162 = tpu.vector_load_idx %parallel_loop3A_161[%parallel_loop3A_142] : memref<128xf32, #tpu.memory_space<vmem>>[vector<16xi32>], vector<16xf32>,
        %parallel_loop3A_163 = arith.constant 0 : i32
        %parallel_loop3A_164 = arith.constant 1 : i32
        %parallel_loop3A_165 = arith.index_cast %parallel_loop3A_128 : i32 to index
        %parallel_loop3A_166 = arith.index_cast %parallel_loop3A_163 : i32 to index
        %parallel_loop3A_167 = arith.index_cast %parallel_loop3A_132 : i32 to index
        %parallel_loop3A_168 = arith.index_cast %parallel_loop3A_164 : i32 to index
        %parallel_loop3A_169 = arith.index_cast %parallel_loop3A_144 : i32 to index
        %parallel_loop3A_170 = tpu.vector_load %arg8[%parallel_loop3A_165, %parallel_loop3A_166, %parallel_loop3A_167, %parallel_loop3A_168, %parallel_loop3A_169] {strides = array<i32>} : memref<8x2x2x8x128xf32, #tpu.memory_space<vmem>>, vector<16xf32>,
        tpu.vector_store %arg8[%parallel_loop3A_165, %parallel_loop3A_166, %parallel_loop3A_167, %parallel_loop3A_168, %parallel_loop3A_169], %parallel_loop3A_162 {strides = array<i32>} : memref<8x2x2x8x128xf32, #tpu.memory_space<vmem>>, vector<16xf32>,
        %parallel_loop3A_171 = arith.constant 2 : i32
        %parallel_loop3A_172 = arith.constant 0 : i32
        %parallel_loop3A_173 = tpu.memref_slice %arg7[%parallel_loop3A_171, %parallel_loop3A_172] : memref<16x128xf32, #tpu.memory_space<vmem>> -> memref<1x128xf32, #tpu.memory_space<vmem>>
        %parallel_loop3A_174 = tpu.memref_squeeze %parallel_loop3A_173 : memref<1x128xf32, #tpu.memory_space<vmem>> -> memref<128xf32, #tpu.memory_space<vmem>>
        %parallel_loop3A_175 = tpu.vector_load_idx %parallel_loop3A_174[%parallel_loop3A_142] : memref<128xf32, #tpu.memory_space<vmem>>[vector<16xi32>], vector<16xf32>,
        %parallel_loop3A_176 = arith.constant 0 : i32
        %parallel_loop3A_177 = arith.constant 2 : i32
        %parallel_loop3A_178 = arith.index_cast %parallel_loop3A_128 : i32 to index
        %parallel_loop3A_179 = arith.index_cast %parallel_loop3A_176 : i32 to index
        %parallel_loop3A_180 = arith.index_cast %parallel_loop3A_132 : i32 to index
        %parallel_loop3A_181 = arith.index_cast %parallel_loop3A_177 : i32 to index
        %parallel_loop3A_182 = arith.index_cast %parallel_loop3A_144 : i32 to index
        %parallel_loop3A_183 = tpu.vector_load %arg8[%parallel_loop3A_178, %parallel_loop3A_179, %parallel_loop3A_180, %parallel_loop3A_181, %parallel_loop3A_182] {strides = array<i32>} : memref<8x2x2x8x128xf32, #tpu.memory_space<vmem>>, vector<16xf32>,
        tpu.vector_store %arg8[%parallel_loop3A_178, %parallel_loop3A_179, %parallel_loop3A_180, %parallel_loop3A_181, %parallel_loop3A_182], %parallel_loop3A_175 {strides = array<i32>} : memref<8x2x2x8x128xf32, #tpu.memory_space<vmem>>, vector<16xf32>,
        %parallel_loop3A_184 = arith.constant 3 : i32
        %parallel_loop3A_185 = arith.constant 0 : i32
        %parallel_loop3A_186 = tpu.memref_slice %arg7[%parallel_loop3A_184, %parallel_loop3A_185] : memref<16x128xf32, #tpu.memory_space<vmem>> -> memref<1x128xf32, #tpu.memory_space<vmem>>
        %parallel_loop3A_187 = tpu.memref_squeeze %parallel_loop3A_186 : memref<1x128xf32, #tpu.memory_space<vmem>> -> memref<128xf32, #tpu.memory_space<vmem>>
        %parallel_loop3A_188 = tpu.vector_load_idx %parallel_loop3A_187[%parallel_loop3A_142] : memref<128xf32, #tpu.memory_space<vmem>>[vector<16xi32>], vector<16xf32>,
        %parallel_loop3A_189 = arith.constant 0 : i32
        %parallel_loop3A_190 = arith.constant 3 : i32
        %parallel_loop3A_191 = arith.index_cast %parallel_loop3A_128 : i32 to index
        %parallel_loop3A_192 = arith.index_cast %parallel_loop3A_189 : i32 to index
        %parallel_loop3A_193 = arith.index_cast %parallel_loop3A_132 : i32 to index
        %parallel_loop3A_194 = arith.index_cast %parallel_loop3A_190 : i32 to index
        %parallel_loop3A_195 = arith.index_cast %parallel_loop3A_144 : i32 to index
        %parallel_loop3A_196 = tpu.vector_load %arg8[%parallel_loop3A_191, %parallel_loop3A_192, %parallel_loop3A_193, %parallel_loop3A_194, %parallel_loop3A_195] {strides = array<i32>} : memref<8x2x2x8x128xf32, #tpu.memory_space<vmem>>, vector<16xf32>,
        tpu.vector_store %arg8[%parallel_loop3A_191, %parallel_loop3A_192, %parallel_loop3A_193, %parallel_loop3A_194, %parallel_loop3A_195], %parallel_loop3A_188 {strides = array<i32>} : memref<8x2x2x8x128xf32, #tpu.memory_space<vmem>>, vector<16xf32>,
        %parallel_loop3A_197 = arith.constant 4 : i32
        %parallel_loop3A_198 = arith.constant 0 : i32
        %parallel_loop3A_199 = tpu.memref_slice %arg7[%parallel_loop3A_197, %parallel_loop3A_198] : memref<16x128xf32, #tpu.memory_space<vmem>> -> memref<1x128xf32, #tpu.memory_space<vmem>>
        %parallel_loop3A_200 = tpu.memref_squeeze %parallel_loop3A_199 : memref<1x128xf32, #tpu.memory_space<vmem>> -> memref<128xf32, #tpu.memory_space<vmem>>
        %parallel_loop3A_201 = tpu.vector_load_idx %parallel_loop3A_200[%parallel_loop3A_142] : memref<128xf32, #tpu.memory_space<vmem>>[vector<16xi32>], vector<16xf32>,
        %parallel_loop3A_202 = arith.constant 0 : i32
        %parallel_loop3A_203 = arith.constant 4 : i32
        %parallel_loop3A_204 = arith.index_cast %parallel_loop3A_128 : i32 to index
        %parallel_loop3A_205 = arith.index_cast %parallel_loop3A_202 : i32 to index
        %parallel_loop3A_206 = arith.index_cast %parallel_loop3A_132 : i32 to index
        %parallel_loop3A_207 = arith.index_cast %parallel_loop3A_203 : i32 to index
        %parallel_loop3A_208 = arith.index_cast %parallel_loop3A_144 : i32 to index
        %parallel_loop3A_209 = tpu.vector_load %arg8[%parallel_loop3A_204, %parallel_loop3A_205, %parallel_loop3A_206, %parallel_loop3A_207, %parallel_loop3A_208] {strides = array<i32>} : memref<8x2x2x8x128xf32, #tpu.memory_space<vmem>>, vector<16xf32>,
        tpu.vector_store %arg8[%parallel_loop3A_204, %parallel_loop3A_205, %parallel_loop3A_206, %parallel_loop3A_207, %parallel_loop3A_208], %parallel_loop3A_201 {strides = array<i32>} : memref<8x2x2x8x128xf32, #tpu.memory_space<vmem>>, vector<16xf32>,
        %parallel_loop3A_210 = arith.constant 5 : i32
        %parallel_loop3A_211 = arith.constant 0 : i32
        %parallel_loop3A_212 = tpu.memref_slice %arg7[%parallel_loop3A_210, %parallel_loop3A_211] : memref<16x128xf32, #tpu.memory_space<vmem>> -> memref<1x128xf32, #tpu.memory_space<vmem>>
        %parallel_loop3A_213 = tpu.memref_squeeze %parallel_loop3A_212 : memref<1x128xf32, #tpu.memory_space<vmem>> -> memref<128xf32, #tpu.memory_space<vmem>>
        %parallel_loop3A_214 = tpu.vector_load_idx %parallel_loop3A_213[%parallel_loop3A_142] : memref<128xf32, #tpu.memory_space<vmem>>[vector<16xi32>], vector<16xf32>,
        %parallel_loop3A_215 = arith.constant 0 : i32
        %parallel_loop3A_216 = arith.constant 5 : i32
        %parallel_loop3A_217 = arith.index_cast %parallel_loop3A_128 : i32 to index
        %parallel_loop3A_218 = arith.index_cast %parallel_loop3A_215 : i32 to index
        %parallel_loop3A_219 = arith.index_cast %parallel_loop3A_132 : i32 to index
        %parallel_loop3A_220 = arith.index_cast %parallel_loop3A_216 : i32 to index
        %parallel_loop3A_221 = arith.index_cast %parallel_loop3A_144 : i32 to index
        %parallel_loop3A_222 = tpu.vector_load %arg8[%parallel_loop3A_217, %parallel_loop3A_218, %parallel_loop3A_219, %parallel_loop3A_220, %parallel_loop3A_221] {strides = array<i32>} : memref<8x2x2x8x128xf32, #tpu.memory_space<vmem>>, vector<16xf32>,
        tpu.vector_store %arg8[%parallel_loop3A_217, %parallel_loop3A_218, %parallel_loop3A_219, %parallel_loop3A_220, %parallel_loop3A_221], %parallel_loop3A_214 {strides = array<i32>} : memref<8x2x2x8x128xf32, #tpu.memory_space<vmem>>, vector<16xf32>,
        %parallel_loop3A_223 = arith.constant 6 : i32
        %parallel_loop3A_224 = arith.constant 0 : i32
        %parallel_loop3A_225 = tpu.memref_slice %arg7[%parallel_loop3A_223, %parallel_loop3A_224] : memref<16x128xf32, #tpu.memory_space<vmem>> -> memref<1x128xf32, #tpu.memory_space<vmem>>
        %parallel_loop3A_226 = tpu.memref_squeeze %parallel_loop3A_225 : memref<1x128xf32, #tpu.memory_space<vmem>> -> memref<128xf32, #tpu.memory_space<vmem>>
        %parallel_loop3A_227 = tpu.vector_load_idx %parallel_loop3A_226[%parallel_loop3A_142] : memref<128xf32, #tpu.memory_space<vmem>>[vector<16xi32>], vector<16xf32>,
        %parallel_loop3A_228 = arith.constant 0 : i32
        %parallel_loop3A_229 = arith.constant 6 : i32
        %parallel_loop3A_230 = arith.index_cast %parallel_loop3A_128 : i32 to index
        %parallel_loop3A_231 = arith.index_cast %parallel_loop3A_228 : i32 to index
        %parallel_loop3A_232 = arith.index_cast %parallel_loop3A_132 : i32 to index
        %parallel_loop3A_233 = arith.index_cast %parallel_loop3A_229 : i32 to index
        %parallel_loop3A_234 = arith.index_cast %parallel_loop3A_144 : i32 to index
        %parallel_loop3A_235 = tpu.vector_load %arg8[%parallel_loop3A_230, %parallel_loop3A_231, %parallel_loop3A_232, %parallel_loop3A_233, %parallel_loop3A_234] {strides = array<i32>} : memref<8x2x2x8x128xf32, #tpu.memory_space<vmem>>, vector<16xf32>,
        tpu.vector_store %arg8[%parallel_loop3A_230, %parallel_loop3A_231, %parallel_loop3A_232, %parallel_loop3A_233, %parallel_loop3A_234], %parallel_loop3A_227 {strides = array<i32>} : memref<8x2x2x8x128xf32, #tpu.memory_space<vmem>>, vector<16xf32>,
        %parallel_loop3A_236 = arith.constant 7 : i32
        %parallel_loop3A_237 = arith.constant 0 : i32
        %parallel_loop3A_238 = tpu.memref_slice %arg7[%parallel_loop3A_236, %parallel_loop3A_237] : memref<16x128xf32, #tpu.memory_space<vmem>> -> memref<1x128xf32, #tpu.memory_space<vmem>>
        %parallel_loop3A_239 = tpu.memref_squeeze %parallel_loop3A_238 : memref<1x128xf32, #tpu.memory_space<vmem>> -> memref<128xf32, #tpu.memory_space<vmem>>
        %parallel_loop3A_240 = tpu.vector_load_idx %parallel_loop3A_239[%parallel_loop3A_142] : memref<128xf32, #tpu.memory_space<vmem>>[vector<16xi32>], vector<16xf32>,
        %parallel_loop3A_241 = arith.constant 0 : i32
        %parallel_loop3A_242 = arith.constant 7 : i32
        %parallel_loop3A_243 = arith.index_cast %parallel_loop3A_128 : i32 to index
        %parallel_loop3A_244 = arith.index_cast %parallel_loop3A_241 : i32 to index
        %parallel_loop3A_245 = arith.index_cast %parallel_loop3A_132 : i32 to index
        %parallel_loop3A_246 = arith.index_cast %parallel_loop3A_242 : i32 to index
        %parallel_loop3A_247 = arith.index_cast %parallel_loop3A_144 : i32 to index
        %parallel_loop3A_248 = tpu.vector_load %arg8[%parallel_loop3A_243, %parallel_loop3A_244, %parallel_loop3A_245, %parallel_loop3A_246, %parallel_loop3A_247] {strides = array<i32>} : memref<8x2x2x8x128xf32, #tpu.memory_space<vmem>>, vector<16xf32>,
        tpu.vector_store %arg8[%parallel_loop3A_243, %parallel_loop3A_244, %parallel_loop3A_245, %parallel_loop3A_246, %parallel_loop3A_247], %parallel_loop3A_240 {strides = array<i32>} : memref<8x2x2x8x128xf32, #tpu.memory_space<vmem>>, vector<16xf32>,
        %parallel_loop3A_249 = arith.constant 8 : i32
        %parallel_loop3A_250 = arith.constant 0 : i32
        %parallel_loop3A_251 = tpu.memref_slice %arg7[%parallel_loop3A_249, %parallel_loop3A_250] : memref<16x128xf32, #tpu.memory_space<vmem>> -> memref<1x128xf32, #tpu.memory_space<vmem>>
        %parallel_loop3A_252 = tpu.memref_squeeze %parallel_loop3A_251 : memref<1x128xf32, #tpu.memory_space<vmem>> -> memref<128xf32, #tpu.memory_space<vmem>>
        %parallel_loop3A_253 = tpu.vector_load_idx %parallel_loop3A_252[%parallel_loop3A_142] : memref<128xf32, #tpu.memory_space<vmem>>[vector<16xi32>], vector<16xf32>,
        %parallel_loop3A_254 = arith.constant 1 : i32
        %parallel_loop3A_255 = arith.constant 0 : i32
        %parallel_loop3A_256 = arith.index_cast %parallel_loop3A_128 : i32 to index
        %parallel_loop3A_257 = arith.index_cast %parallel_loop3A_254 : i32 to index
        %parallel_loop3A_258 = arith.index_cast %parallel_loop3A_132 : i32 to index
        %parallel_loop3A_259 = arith.index_cast %parallel_loop3A_255 : i32 to index
        %parallel_loop3A_260 = arith.index_cast %parallel_loop3A_144 : i32 to index
        %parallel_loop3A_261 = tpu.vector_load %arg8[%parallel_loop3A_256, %parallel_loop3A_257, %parallel_loop3A_258, %parallel_loop3A_259, %parallel_loop3A_260] {strides = array<i32>} : memref<8x2x2x8x128xf32, #tpu.memory_space<vmem>>, vector<16xf32>,
        tpu.vector_store %arg8[%parallel_loop3A_256, %parallel_loop3A_257, %parallel_loop3A_258, %parallel_loop3A_259, %parallel_loop3A_260], %parallel_loop3A_253 {strides = array<i32>} : memref<8x2x2x8x128xf32, #tpu.memory_space<vmem>>, vector<16xf32>,
        %parallel_loop3A_262 = arith.constant 9 : i32
        %parallel_loop3A_263 = arith.constant 0 : i32
        %parallel_loop3A_264 = tpu.memref_slice %arg7[%parallel_loop3A_262, %parallel_loop3A_263] : memref<16x128xf32, #tpu.memory_space<vmem>> -> memref<1x128xf32, #tpu.memory_space<vmem>>
        %parallel_loop3A_265 = tpu.memref_squeeze %parallel_loop3A_264 : memref<1x128xf32, #tpu.memory_space<vmem>> -> memref<128xf32, #tpu.memory_space<vmem>>
        %parallel_loop3A_266 = tpu.vector_load_idx %parallel_loop3A_265[%parallel_loop3A_142] : memref<128xf32, #tpu.memory_space<vmem>>[vector<16xi32>], vector<16xf32>,
        %parallel_loop3A_267 = arith.constant 1 : i32
        %parallel_loop3A_268 = arith.constant 1 : i32
        %parallel_loop3A_269 = arith.index_cast %parallel_loop3A_128 : i32 to index
        %parallel_loop3A_270 = arith.index_cast %parallel_loop3A_267 : i32 to index
        %parallel_loop3A_271 = arith.index_cast %parallel_loop3A_132 : i32 to index
        %parallel_loop3A_272 = arith.index_cast %parallel_loop3A_268 : i32 to index
        %parallel_loop3A_273 = arith.index_cast %parallel_loop3A_144 : i32 to index
        %parallel_loop3A_274 = tpu.vector_load %arg8[%parallel_loop3A_269, %parallel_loop3A_270, %parallel_loop3A_271, %parallel_loop3A_272, %parallel_loop3A_273] {strides = array<i32>} : memref<8x2x2x8x128xf32, #tpu.memory_space<vmem>>, vector<16xf32>,
        tpu.vector_store %arg8[%parallel_loop3A_269, %parallel_loop3A_270, %parallel_loop3A_271, %parallel_loop3A_272, %parallel_loop3A_273], %parallel_loop3A_266 {strides = array<i32>} : memref<8x2x2x8x128xf32, #tpu.memory_space<vmem>>, vector<16xf32>,
        %parallel_loop3A_275 = arith.constant 10 : i32
        %parallel_loop3A_276 = arith.constant 0 : i32
        %parallel_loop3A_277 = tpu.memref_slice %arg7[%parallel_loop3A_275, %parallel_loop3A_276] : memref<16x128xf32, #tpu.memory_space<vmem>> -> memref<1x128xf32, #tpu.memory_space<vmem>>
        %parallel_loop3A_278 = tpu.memref_squeeze %parallel_loop3A_277 : memref<1x128xf32, #tpu.memory_space<vmem>> -> memref<128xf32, #tpu.memory_space<vmem>>
        %parallel_loop3A_279 = tpu.vector_load_idx %parallel_loop3A_278[%parallel_loop3A_142] : memref<128xf32, #tpu.memory_space<vmem>>[vector<16xi32>], vector<16xf32>,
        %parallel_loop3A_280 = arith.constant 1 : i32
        %parallel_loop3A_281 = arith.constant 2 : i32
        %parallel_loop3A_282 = arith.index_cast %parallel_loop3A_128 : i32 to index
        %parallel_loop3A_283 = arith.index_cast %parallel_loop3A_280 : i32 to index
        %parallel_loop3A_284 = arith.index_cast %parallel_loop3A_132 : i32 to index
        %parallel_loop3A_285 = arith.index_cast %parallel_loop3A_281 : i32 to index
        %parallel_loop3A_286 = arith.index_cast %parallel_loop3A_144 : i32 to index
        %parallel_loop3A_287 = tpu.vector_load %arg8[%parallel_loop3A_282, %parallel_loop3A_283, %parallel_loop3A_284, %parallel_loop3A_285, %parallel_loop3A_286] {strides = array<i32>} : memref<8x2x2x8x128xf32, #tpu.memory_space<vmem>>, vector<16xf32>,
        tpu.vector_store %arg8[%parallel_loop3A_282, %parallel_loop3A_283, %parallel_loop3A_284, %parallel_loop3A_285, %parallel_loop3A_286], %parallel_loop3A_279 {strides = array<i32>} : memref<8x2x2x8x128xf32, #tpu.memory_space<vmem>>, vector<16xf32>,
        %parallel_loop3A_288 = arith.constant 11 : i32
        %parallel_loop3A_289 = arith.constant 0 : i32
        %parallel_loop3A_290 = tpu.memref_slice %arg7[%parallel_loop3A_288, %parallel_loop3A_289] : memref<16x128xf32, #tpu.memory_space<vmem>> -> memref<1x128xf32, #tpu.memory_space<vmem>>
        %parallel_loop3A_291 = tpu.memref_squeeze %parallel_loop3A_290 : memref<1x128xf32, #tpu.memory_space<vmem>> -> memref<128xf32, #tpu.memory_space<vmem>>
        %parallel_loop3A_292 = tpu.vector_load_idx %parallel_loop3A_291[%parallel_loop3A_142] : memref<128xf32, #tpu.memory_space<vmem>>[vector<16xi32>], vector<16xf32>,
        %parallel_loop3A_293 = arith.constant 1 : i32
        %parallel_loop3A_294 = arith.constant 3 : i32
        %parallel_loop3A_295 = arith.index_cast %parallel_loop3A_128 : i32 to index
        %parallel_loop3A_296 = arith.index_cast %parallel_loop3A_293 : i32 to index
        %parallel_loop3A_297 = arith.index_cast %parallel_loop3A_132 : i32 to index
        %parallel_loop3A_298 = arith.index_cast %parallel_loop3A_294 : i32 to index
        %parallel_loop3A_299 = arith.index_cast %parallel_loop3A_144 : i32 to index
        %parallel_loop3A_300 = tpu.vector_load %arg8[%parallel_loop3A_295, %parallel_loop3A_296, %parallel_loop3A_297, %parallel_loop3A_298, %parallel_loop3A_299] {strides = array<i32>} : memref<8x2x2x8x128xf32, #tpu.memory_space<vmem>>, vector<16xf32>,
        tpu.vector_store %arg8[%parallel_loop3A_295, %parallel_loop3A_296, %parallel_loop3A_297, %parallel_loop3A_298, %parallel_loop3A_299], %parallel_loop3A_292 {strides = array<i32>} : memref<8x2x2x8x128xf32, #tpu.memory_space<vmem>>, vector<16xf32>,
        %parallel_loop3A_301 = arith.constant 12 : i32
        %parallel_loop3A_302 = arith.constant 0 : i32
        %parallel_loop3A_303 = tpu.memref_slice %arg7[%parallel_loop3A_301, %parallel_loop3A_302] : memref<16x128xf32, #tpu.memory_space<vmem>> -> memref<1x128xf32, #tpu.memory_space<vmem>>
        %parallel_loop3A_304 = tpu.memref_squeeze %parallel_loop3A_303 : memref<1x128xf32, #tpu.memory_space<vmem>> -> memref<128xf32, #tpu.memory_space<vmem>>
        %parallel_loop3A_305 = tpu.vector_load_idx %parallel_loop3A_304[%parallel_loop3A_142] : memref<128xf32, #tpu.memory_space<vmem>>[vector<16xi32>], vector<16xf32>,
        %parallel_loop3A_306 = arith.constant 1 : i32
        %parallel_loop3A_307 = arith.constant 4 : i32
        %parallel_loop3A_308 = arith.index_cast %parallel_loop3A_128 : i32 to index
        %parallel_loop3A_309 = arith.index_cast %parallel_loop3A_306 : i32 to index
        %parallel_loop3A_310 = arith.index_cast %parallel_loop3A_132 : i32 to index
        %parallel_loop3A_311 = arith.index_cast %parallel_loop3A_307 : i32 to index
        %parallel_loop3A_312 = arith.index_cast %parallel_loop3A_144 : i32 to index
        %parallel_loop3A_313 = tpu.vector_load %arg8[%parallel_loop3A_308, %parallel_loop3A_309, %parallel_loop3A_310, %parallel_loop3A_311, %parallel_loop3A_312] {strides = array<i32>} : memref<8x2x2x8x128xf32, #tpu.memory_space<vmem>>, vector<16xf32>,
        tpu.vector_store %arg8[%parallel_loop3A_308, %parallel_loop3A_309, %parallel_loop3A_310, %parallel_loop3A_311, %parallel_loop3A_312], %parallel_loop3A_305 {strides = array<i32>} : memref<8x2x2x8x128xf32, #tpu.memory_space<vmem>>, vector<16xf32>,
        %parallel_loop3A_314 = arith.constant 13 : i32
        %parallel_loop3A_315 = arith.constant 0 : i32
        %parallel_loop3A_316 = tpu.memref_slice %arg7[%parallel_loop3A_314, %parallel_loop3A_315] : memref<16x128xf32, #tpu.memory_space<vmem>> -> memref<1x128xf32, #tpu.memory_space<vmem>>
        %parallel_loop3A_317 = tpu.memref_squeeze %parallel_loop3A_316 : memref<1x128xf32, #tpu.memory_space<vmem>> -> memref<128xf32, #tpu.memory_space<vmem>>
        %parallel_loop3A_318 = tpu.vector_load_idx %parallel_loop3A_317[%parallel_loop3A_142] : memref<128xf32, #tpu.memory_space<vmem>>[vector<16xi32>], vector<16xf32>,
        %parallel_loop3A_319 = arith.constant 1 : i32
        %parallel_loop3A_320 = arith.constant 5 : i32
        %parallel_loop3A_321 = arith.index_cast %parallel_loop3A_128 : i32 to index
        %parallel_loop3A_322 = arith.index_cast %parallel_loop3A_319 : i32 to index
        %parallel_loop3A_323 = arith.index_cast %parallel_loop3A_132 : i32 to index
        %parallel_loop3A_324 = arith.index_cast %parallel_loop3A_320 : i32 to index
        %parallel_loop3A_325 = arith.index_cast %parallel_loop3A_144 : i32 to index
        %parallel_loop3A_326 = tpu.vector_load %arg8[%parallel_loop3A_321, %parallel_loop3A_322, %parallel_loop3A_323, %parallel_loop3A_324, %parallel_loop3A_325] {strides = array<i32>} : memref<8x2x2x8x128xf32, #tpu.memory_space<vmem>>, vector<16xf32>,
        tpu.vector_store %arg8[%parallel_loop3A_321, %parallel_loop3A_322, %parallel_loop3A_323, %parallel_loop3A_324, %parallel_loop3A_325], %parallel_loop3A_318 {strides = array<i32>} : memref<8x2x2x8x128xf32, #tpu.memory_space<vmem>>, vector<16xf32>,
        %parallel_loop3A_327 = arith.constant 14 : i32
        %parallel_loop3A_328 = arith.constant 0 : i32
        %parallel_loop3A_329 = tpu.memref_slice %arg7[%parallel_loop3A_327, %parallel_loop3A_328] : memref<16x128xf32, #tpu.memory_space<vmem>> -> memref<1x128xf32, #tpu.memory_space<vmem>>
        %parallel_loop3A_330 = tpu.memref_squeeze %parallel_loop3A_329 : memref<1x128xf32, #tpu.memory_space<vmem>> -> memref<128xf32, #tpu.memory_space<vmem>>
        %parallel_loop3A_331 = tpu.vector_load_idx %parallel_loop3A_330[%parallel_loop3A_142] : memref<128xf32, #tpu.memory_space<vmem>>[vector<16xi32>], vector<16xf32>,
        %parallel_loop3A_332 = arith.constant 1 : i32
        %parallel_loop3A_333 = arith.constant 6 : i32
        %parallel_loop3A_334 = arith.index_cast %parallel_loop3A_128 : i32 to index
        %parallel_loop3A_335 = arith.index_cast %parallel_loop3A_332 : i32 to index
        %parallel_loop3A_336 = arith.index_cast %parallel_loop3A_132 : i32 to index
        %parallel_loop3A_337 = arith.index_cast %parallel_loop3A_333 : i32 to index
        %parallel_loop3A_338 = arith.index_cast %parallel_loop3A_144 : i32 to index
        %parallel_loop3A_339 = tpu.vector_load %arg8[%parallel_loop3A_334, %parallel_loop3A_335, %parallel_loop3A_336, %parallel_loop3A_337, %parallel_loop3A_338] {strides = array<i32>} : memref<8x2x2x8x128xf32, #tpu.memory_space<vmem>>, vector<16xf32>,
        tpu.vector_store %arg8[%parallel_loop3A_334, %parallel_loop3A_335, %parallel_loop3A_336, %parallel_loop3A_337, %parallel_loop3A_338], %parallel_loop3A_331 {strides = array<i32>} : memref<8x2x2x8x128xf32, #tpu.memory_space<vmem>>, vector<16xf32>,
        %parallel_loop3A_340 = arith.constant 15 : i32
        %parallel_loop3A_341 = arith.constant 0 : i32
        %parallel_loop3A_342 = tpu.memref_slice %arg7[%parallel_loop3A_340, %parallel_loop3A_341] : memref<16x128xf32, #tpu.memory_space<vmem>> -> memref<1x128xf32, #tpu.memory_space<vmem>>
        %parallel_loop3A_343 = tpu.memref_squeeze %parallel_loop3A_342 : memref<1x128xf32, #tpu.memory_space<vmem>> -> memref<128xf32, #tpu.memory_space<vmem>>
        %parallel_loop3A_344 = tpu.vector_load_idx %parallel_loop3A_343[%parallel_loop3A_142] : memref<128xf32, #tpu.memory_space<vmem>>[vector<16xi32>], vector<16xf32>,
        %parallel_loop3A_345 = arith.constant 1 : i32
        %parallel_loop3A_346 = arith.constant 7 : i32
        %parallel_loop3A_347 = arith.index_cast %parallel_loop3A_128 : i32 to index
        %parallel_loop3A_348 = arith.index_cast %parallel_loop3A_345 : i32 to index
        %parallel_loop3A_349 = arith.index_cast %parallel_loop3A_132 : i32 to index
        %parallel_loop3A_350 = arith.index_cast %parallel_loop3A_346 : i32 to index
        %parallel_loop3A_351 = arith.index_cast %parallel_loop3A_144 : i32 to index
        %parallel_loop3A_352 = tpu.vector_load %arg8[%parallel_loop3A_347, %parallel_loop3A_348, %parallel_loop3A_349, %parallel_loop3A_350, %parallel_loop3A_351] {strides = array<i32>} : memref<8x2x2x8x128xf32, #tpu.memory_space<vmem>>, vector<16xf32>,
        tpu.vector_store %arg8[%parallel_loop3A_347, %parallel_loop3A_348, %parallel_loop3A_349, %parallel_loop3A_350, %parallel_loop3A_351], %parallel_loop3A_344 {strides = array<i32>} : memref<8x2x2x8x128xf32, #tpu.memory_space<vmem>>, vector<16xf32>,
      } {sc.loop_unroll_factor = 8 : i64, sc.parallel_access}
      %mul3A_65 = arith.constant 8 : i32
      %mul3A_66 = arith.muli %add3A_52, %mul3A_65 : i32
      %dma_start3A_67 = arith.constant 0 : i32
      %dma_start3A_68 = arith.constant 0 : i32
      %dma_start3A_69 = arith.constant 0 : i32
      %dma_start3A_70 = arith.constant 0 : i32
      %dma_start3A_71 = tpu.memref_slice %arg4[%add3A, %mul3A_66, %dma_start3A_67, %dma_start3A_68, %dma_start3A_69, %dma_start3A_70] : memref<32x256x2x2x8x128xf32, #tpu.memory_space<hbm>> -> memref<1x8x2x2x8x128xf32, #tpu.memory_space<hbm>>
      %dma_start3A_72 = tpu.memref_squeeze %dma_start3A_71 : memref<1x8x2x2x8x128xf32, #tpu.memory_space<hbm>> -> memref<8x2x2x8x128xf32, #tpu.memory_space<hbm>>
      %dma_start3A_73 = arith.constant 0 : i32
      %dma_start3A_74 = arith.constant 0 : i32
      %dma_start3A_75 = arith.constant 0 : i32
      %dma_start3A_76 = arith.constant 0 : i32
      %dma_start3A_77 = tpu.memref_slice %arg4[%add3A, %mul3A_66, %dma_start3A_73, %dma_start3A_74, %dma_start3A_75, %dma_start3A_76] : memref<32x256x2x2x8x128xf32, #tpu.memory_space<hbm>> -> memref<1x8x2x2x8x128xf32, #tpu.memory_space<hbm>>
      %dma_start3A_78 = tpu.memref_squeeze %dma_start3A_77 : memref<1x8x2x2x8x128xf32, #tpu.memory_space<hbm>> -> memref<8x2x2x8x128xf32, #tpu.memory_space<hbm>>
      tpu.enqueue_dma source(%arg8 : memref<8x2x2x8x128xf32, #tpu.memory_space<vmem>>) target(%dma_start3A_78 : memref<8x2x2x8x128xf32, #tpu.memory_space<hbm>>) target_semaphore(%arg12 : memref<!tpu.dma_semaphore, #tpu.memory_space<semaphore_mem>>)
      %add3A_79 = arith.constant 2 : i32
      %add3A_80 = arith.addi %add3A_52, %add3A_79 : i32
      %lt3A = arith.constant 32 : i32
      %lt3A_81 = arith.cmpi slt, %add3A_80, %lt3A : i32
      %convert_element_type3A_82 = arith.extui %lt3A_81 : i1 to i32
      %cond3A_83 = arith.constant 0 : i32
      %cond3A_84 = arith.cmpi ne, %convert_element_type3A_82, %cond3A_83 : i32
      scf.if %cond3A_84 {
        %add3A_126 = arith.constant 2 : i32
        %add3A_127 = arith.addi %add3A_52, %add3A_126 : i32
        %mul3A_128 = arith.constant 8 : i32
        %mul3A_129 = arith.muli %add3A_127, %mul3A_128 : i32
        %dma_start3A_130 = arith.constant 0 : i32
        %dma_start3A_131 = tpu.memref_slice %arg2[%add3A, %mul3A_129, %dma_start3A_130] : memref<32x256x256xi32, #tpu.memory_space<hbm>> -> memref<1x8x256xi32, #tpu.memory_space<hbm>>
        %dma_start3A_132 = tpu.memref_squeeze %dma_start3A_131 : memref<1x8x256xi32, #tpu.memory_space<hbm>> -> memref<8x256xi32, #tpu.memory_space<hbm>>
        %dma_start3A_133 = arith.constant 0 : i32
        %dma_start3A_134 = tpu.memref_slice %arg2[%add3A, %mul3A_129, %dma_start3A_133] : memref<32x256x256xi32, #tpu.memory_space<hbm>> -> memref<1x8x256xi32, #tpu.memory_space<hbm>>
        %dma_start3A_135 = tpu.memref_squeeze %dma_start3A_134 : memref<1x8x256xi32, #tpu.memory_space<hbm>> -> memref<8x256xi32, #tpu.memory_space<hbm>>
        tpu.enqueue_dma source(%dma_start3A_135 : memref<8x256xi32, #tpu.memory_space<hbm>>) target(%arg5 : memref<8x256xi32, #tpu.memory_space<vmem>>) target_semaphore(%arg10 : memref<!tpu.dma_semaphore, #tpu.memory_space<semaphore_mem>>)
      } else {
      }
      %mul3A_85 = arith.constant 2 : i32
      %mul3A_86 = arith.muli %scan3A_48, %mul3A_85 : i32
      %add3A_87 = arith.constant 1 : i32
      %add3A_88 = arith.addi %mul3A_86, %add3A_87 : i32
      %dma_wait3A_89 = arith.constant 0 : i32
      %dma_wait3A_90 = arith.constant 0 : i32
      %dma_wait3A_91 = tpu.memref_slice %arg2[%add3A, %dma_wait3A_89, %dma_wait3A_90] : memref<32x256x256xi32, #tpu.memory_space<hbm>> -> memref<1x8x256xi32, #tpu.memory_space<hbm>>
      %dma_wait3A_92 = tpu.memref_squeeze %dma_wait3A_91 : memref<1x8x256xi32, #tpu.memory_space<hbm>> -> memref<8x256xi32, #tpu.memory_space<hbm>>
      %dma_wait3A_93 = arith.constant 0 : i32
      %dma_wait3A_94 = arith.constant 0 : i32
      %dma_wait3A_95 = tpu.memref_slice %arg2[%add3A, %dma_wait3A_93, %dma_wait3A_94] : memref<32x256x256xi32, #tpu.memory_space<hbm>> -> memref<1x8x256xi32, #tpu.memory_space<hbm>>
      %dma_wait3A_96 = tpu.memref_squeeze %dma_wait3A_95 : memref<1x8x256xi32, #tpu.memory_space<hbm>> -> memref<8x256xi32, #tpu.memory_space<hbm>>
      tpu.wait_dma2 semaphore(%arg11 : memref<!tpu.dma_semaphore, #tpu.memory_space<semaphore_mem>>) src(%dma_wait3A_96 : memref<8x256xi32, #tpu.memory_space<hbm>>) dst(%arg6 : memref<8x256xi32, #tpu.memory_space<vmem>>)
      %ge3A_97 = arith.constant 1 : i32
      %ge3A_98 = arith.cmpi sge, %scan3A_48, %ge3A_97 : i32
      %convert_element_type3A_99 = arith.extui %ge3A_98 : i1 to i32
      %cond3A_100 = arith.constant 0 : i32
      %cond3A_101 = arith.cmpi ne, %convert_element_type3A_99, %cond3A_100 : i32
      scf.if %cond3A_101 {
        %dma_wait3A_126 = arith.constant 0 : i32
        %dma_wait3A_127 = arith.constant 0 : i32
        %dma_wait3A_128 = arith.constant 0 : i32
        %dma_wait3A_129 = arith.constant 0 : i32
        %dma_wait3A_130 = arith.constant 0 : i32
        %dma_wait3A_131 = tpu.memref_slice %arg4[%add3A, %dma_wait3A_126, %dma_wait3A_127, %dma_wait3A_128, %dma_wait3A_129, %dma_wait3A_130] : memref<32x256x2x2x8x128xf32, #tpu.memory_space<hbm>> -> memref<1x8x2x2x8x128xf32, #tpu.memory_space<hbm>>
        %dma_wait3A_132 = tpu.memref_squeeze %dma_wait3A_131 : memref<1x8x2x2x8x128xf32, #tpu.memory_space<hbm>> -> memref<8x2x2x8x128xf32, #tpu.memory_space<hbm>>
        %dma_wait3A_133 = arith.constant 0 : i32
        %dma_wait3A_134 = arith.constant 0 : i32
        %dma_wait3A_135 = arith.constant 0 : i32
        %dma_wait3A_136 = arith.constant 0 : i32
        %dma_wait3A_137 = arith.constant 0 : i32
        %dma_wait3A_138 = tpu.memref_slice %arg4[%add3A, %dma_wait3A_133, %dma_wait3A_134, %dma_wait3A_135, %dma_wait3A_136, %dma_wait3A_137] : memref<32x256x2x2x8x128xf32, #tpu.memory_space<hbm>> -> memref<1x8x2x2x8x128xf32, #tpu.memory_space<hbm>>
        %dma_wait3A_139 = tpu.memref_squeeze %dma_wait3A_138 : memref<1x8x2x2x8x128xf32, #tpu.memory_space<hbm>> -> memref<8x2x2x8x128xf32, #tpu.memory_space<hbm>>
        tpu.wait_dma2 semaphore(%arg13 : memref<!tpu.dma_semaphore, #tpu.memory_space<semaphore_mem>>) src(%arg9 : memref<8x2x2x8x128xf32, #tpu.memory_space<vmem>>) dst(%dma_wait3A_139 : memref<8x2x2x8x128xf32, #tpu.memory_space<hbm>>)
      } else {
      }
      %parallel_loop3A_102 = arith.constant 0 : i32
      %parallel_loop3A_103 = arith.constant 128 : i32
      %parallel_loop3A_104 = arith.constant 1 : i32
      scf.for %parallel_loop3A_126 = %parallel_loop3A_102 to %parallel_loop3A_103 step %parallel_loop3A_104  : i32 {
        %parallel_loop3A_127 = arith.constant 4 : i32
        %parallel_loop3A_128 = arith.shrsi %parallel_loop3A_126, %parallel_loop3A_127 : i32
        %parallel_loop3A_129 = arith.constant 3 : i32
        %parallel_loop3A_130 = arith.shrsi %parallel_loop3A_126, %parallel_loop3A_129 : i32
        %parallel_loop3A_131 = arith.constant 1 : i32
        %parallel_loop3A_132 = arith.andi %parallel_loop3A_130, %parallel_loop3A_131 : i32
        %parallel_loop3A_133 = arith.constant 7 : i32
        %parallel_loop3A_134 = arith.andi %parallel_loop3A_126, %parallel_loop3A_133 : i32
        %parallel_loop3A_135 = arith.constant 128 : i32
        %parallel_loop3A_136 = arith.muli %parallel_loop3A_132, %parallel_loop3A_135 : i32
        %parallel_loop3A_137 = arith.constant 16 : i32
        %parallel_loop3A_138 = arith.muli %parallel_loop3A_134, %parallel_loop3A_137 : i32
        %parallel_loop3A_139 = arith.addi %parallel_loop3A_136, %parallel_loop3A_138 : i32
        %parallel_loop3A_140 = arith.index_cast %parallel_loop3A_128 : i32 to index
        %parallel_loop3A_141 = arith.index_cast %parallel_loop3A_139 : i32 to index
        %parallel_loop3A_142 = tpu.vector_load %arg6[%parallel_loop3A_140, %parallel_loop3A_141] {strides = array<i32>} : memref<8x256xi32, #tpu.memory_space<vmem>>, vector<16xi32>,
        %parallel_loop3A_143 = arith.constant 16 : i32
        %parallel_loop3A_144 = arith.muli %parallel_loop3A_134, %parallel_loop3A_143 : i32
        %parallel_loop3A_145 = arith.constant 0 : i32
        %parallel_loop3A_146 = arith.constant 0 : i32
        %parallel_loop3A_147 = tpu.memref_slice %arg7[%parallel_loop3A_145, %parallel_loop3A_146] : memref<16x128xf32, #tpu.memory_space<vmem>> -> memref<1x128xf32, #tpu.memory_space<vmem>>
        %parallel_loop3A_148 = tpu.memref_squeeze %parallel_loop3A_147 : memref<1x128xf32, #tpu.memory_space<vmem>> -> memref<128xf32, #tpu.memory_space<vmem>>
        %parallel_loop3A_149 = tpu.vector_load_idx %parallel_loop3A_148[%parallel_loop3A_142] : memref<128xf32, #tpu.memory_space<vmem>>[vector<16xi32>], vector<16xf32>,
        %parallel_loop3A_150 = arith.constant 0 : i32
        %parallel_loop3A_151 = arith.constant 0 : i32
        %parallel_loop3A_152 = arith.index_cast %parallel_loop3A_128 : i32 to index
        %parallel_loop3A_153 = arith.index_cast %parallel_loop3A_150 : i32 to index
        %parallel_loop3A_154 = arith.index_cast %parallel_loop3A_132 : i32 to index
        %parallel_loop3A_155 = arith.index_cast %parallel_loop3A_151 : i32 to index
        %parallel_loop3A_156 = arith.index_cast %parallel_loop3A_144 : i32 to index
        %parallel_loop3A_157 = tpu.vector_load %arg9[%parallel_loop3A_152, %parallel_loop3A_153, %parallel_loop3A_154, %parallel_loop3A_155, %parallel_loop3A_156] {strides = array<i32>} : memref<8x2x2x8x128xf32, #tpu.memory_space<vmem>>, vector<16xf32>,
        tpu.vector_store %arg9[%parallel_loop3A_152, %parallel_loop3A_153, %parallel_loop3A_154, %parallel_loop3A_155, %parallel_loop3A_156], %parallel_loop3A_149 {strides = array<i32>} : memref<8x2x2x8x128xf32, #tpu.memory_space<vmem>>, vector<16xf32>,
        %parallel_loop3A_158 = arith.constant 1 : i32
        %parallel_loop3A_159 = arith.constant 0 : i32
        %parallel_loop3A_160 = tpu.memref_slice %arg7[%parallel_loop3A_158, %parallel_loop3A_159] : memref<16x128xf32, #tpu.memory_space<vmem>> -> memref<1x128xf32, #tpu.memory_space<vmem>>
        %parallel_loop3A_161 = tpu.memref_squeeze %parallel_loop3A_160 : memref<1x128xf32, #tpu.memory_space<vmem>> -> memref<128xf32, #tpu.memory_space<vmem>>
        %parallel_loop3A_162 = tpu.vector_load_idx %parallel_loop3A_161[%parallel_loop3A_142] : memref<128xf32, #tpu.memory_space<vmem>>[vector<16xi32>], vector<16xf32>,
        %parallel_loop3A_163 = arith.constant 0 : i32
        %parallel_loop3A_164 = arith.constant 1 : i32
        %parallel_loop3A_165 = arith.index_cast %parallel_loop3A_128 : i32 to index
        %parallel_loop3A_166 = arith.index_cast %parallel_loop3A_163 : i32 to index
        %parallel_loop3A_167 = arith.index_cast %parallel_loop3A_132 : i32 to index
        %parallel_loop3A_168 = arith.index_cast %parallel_loop3A_164 : i32 to index
        %parallel_loop3A_169 = arith.index_cast %parallel_loop3A_144 : i32 to index
        %parallel_loop3A_170 = tpu.vector_load %arg9[%parallel_loop3A_165, %parallel_loop3A_166, %parallel_loop3A_167, %parallel_loop3A_168, %parallel_loop3A_169] {strides = array<i32>} : memref<8x2x2x8x128xf32, #tpu.memory_space<vmem>>, vector<16xf32>,
        tpu.vector_store %arg9[%parallel_loop3A_165, %parallel_loop3A_166, %parallel_loop3A_167, %parallel_loop3A_168, %parallel_loop3A_169], %parallel_loop3A_162 {strides = array<i32>} : memref<8x2x2x8x128xf32, #tpu.memory_space<vmem>>, vector<16xf32>,
        %parallel_loop3A_171 = arith.constant 2 : i32
        %parallel_loop3A_172 = arith.constant 0 : i32
        %parallel_loop3A_173 = tpu.memref_slice %arg7[%parallel_loop3A_171, %parallel_loop3A_172] : memref<16x128xf32, #tpu.memory_space<vmem>> -> memref<1x128xf32, #tpu.memory_space<vmem>>
        %parallel_loop3A_174 = tpu.memref_squeeze %parallel_loop3A_173 : memref<1x128xf32, #tpu.memory_space<vmem>> -> memref<128xf32, #tpu.memory_space<vmem>>
        %parallel_loop3A_175 = tpu.vector_load_idx %parallel_loop3A_174[%parallel_loop3A_142] : memref<128xf32, #tpu.memory_space<vmem>>[vector<16xi32>], vector<16xf32>,
        %parallel_loop3A_176 = arith.constant 0 : i32
        %parallel_loop3A_177 = arith.constant 2 : i32
        %parallel_loop3A_178 = arith.index_cast %parallel_loop3A_128 : i32 to index
        %parallel_loop3A_179 = arith.index_cast %parallel_loop3A_176 : i32 to index
        %parallel_loop3A_180 = arith.index_cast %parallel_loop3A_132 : i32 to index
        %parallel_loop3A_181 = arith.index_cast %parallel_loop3A_177 : i32 to index
        %parallel_loop3A_182 = arith.index_cast %parallel_loop3A_144 : i32 to index
        %parallel_loop3A_183 = tpu.vector_load %arg9[%parallel_loop3A_178, %parallel_loop3A_179, %parallel_loop3A_180, %parallel_loop3A_181, %parallel_loop3A_182] {strides = array<i32>} : memref<8x2x2x8x128xf32, #tpu.memory_space<vmem>>, vector<16xf32>,
        tpu.vector_store %arg9[%parallel_loop3A_178, %parallel_loop3A_179, %parallel_loop3A_180, %parallel_loop3A_181, %parallel_loop3A_182], %parallel_loop3A_175 {strides = array<i32>} : memref<8x2x2x8x128xf32, #tpu.memory_space<vmem>>, vector<16xf32>,
        %parallel_loop3A_184 = arith.constant 3 : i32
        %parallel_loop3A_185 = arith.constant 0 : i32
        %parallel_loop3A_186 = tpu.memref_slice %arg7[%parallel_loop3A_184, %parallel_loop3A_185] : memref<16x128xf32, #tpu.memory_space<vmem>> -> memref<1x128xf32, #tpu.memory_space<vmem>>
        %parallel_loop3A_187 = tpu.memref_squeeze %parallel_loop3A_186 : memref<1x128xf32, #tpu.memory_space<vmem>> -> memref<128xf32, #tpu.memory_space<vmem>>
        %parallel_loop3A_188 = tpu.vector_load_idx %parallel_loop3A_187[%parallel_loop3A_142] : memref<128xf32, #tpu.memory_space<vmem>>[vector<16xi32>], vector<16xf32>,
        %parallel_loop3A_189 = arith.constant 0 : i32
        %parallel_loop3A_190 = arith.constant 3 : i32
        %parallel_loop3A_191 = arith.index_cast %parallel_loop3A_128 : i32 to index
        %parallel_loop3A_192 = arith.index_cast %parallel_loop3A_189 : i32 to index
        %parallel_loop3A_193 = arith.index_cast %parallel_loop3A_132 : i32 to index
        %parallel_loop3A_194 = arith.index_cast %parallel_loop3A_190 : i32 to index
        %parallel_loop3A_195 = arith.index_cast %parallel_loop3A_144 : i32 to index
        %parallel_loop3A_196 = tpu.vector_load %arg9[%parallel_loop3A_191, %parallel_loop3A_192, %parallel_loop3A_193, %parallel_loop3A_194, %parallel_loop3A_195] {strides = array<i32>} : memref<8x2x2x8x128xf32, #tpu.memory_space<vmem>>, vector<16xf32>,
        tpu.vector_store %arg9[%parallel_loop3A_191, %parallel_loop3A_192, %parallel_loop3A_193, %parallel_loop3A_194, %parallel_loop3A_195], %parallel_loop3A_188 {strides = array<i32>} : memref<8x2x2x8x128xf32, #tpu.memory_space<vmem>>, vector<16xf32>,
        %parallel_loop3A_197 = arith.constant 4 : i32
        %parallel_loop3A_198 = arith.constant 0 : i32
        %parallel_loop3A_199 = tpu.memref_slice %arg7[%parallel_loop3A_197, %parallel_loop3A_198] : memref<16x128xf32, #tpu.memory_space<vmem>> -> memref<1x128xf32, #tpu.memory_space<vmem>>
        %parallel_loop3A_200 = tpu.memref_squeeze %parallel_loop3A_199 : memref<1x128xf32, #tpu.memory_space<vmem>> -> memref<128xf32, #tpu.memory_space<vmem>>
        %parallel_loop3A_201 = tpu.vector_load_idx %parallel_loop3A_200[%parallel_loop3A_142] : memref<128xf32, #tpu.memory_space<vmem>>[vector<16xi32>], vector<16xf32>,
        %parallel_loop3A_202 = arith.constant 0 : i32
        %parallel_loop3A_203 = arith.constant 4 : i32
        %parallel_loop3A_204 = arith.index_cast %parallel_loop3A_128 : i32 to index
        %parallel_loop3A_205 = arith.index_cast %parallel_loop3A_202 : i32 to index
        %parallel_loop3A_206 = arith.index_cast %parallel_loop3A_132 : i32 to index
        %parallel_loop3A_207 = arith.index_cast %parallel_loop3A_203 : i32 to index
        %parallel_loop3A_208 = arith.index_cast %parallel_loop3A_144 : i32 to index
        %parallel_loop3A_209 = tpu.vector_load %arg9[%parallel_loop3A_204, %parallel_loop3A_205, %parallel_loop3A_206, %parallel_loop3A_207, %parallel_loop3A_208] {strides = array<i32>} : memref<8x2x2x8x128xf32, #tpu.memory_space<vmem>>, vector<16xf32>,
        tpu.vector_store %arg9[%parallel_loop3A_204, %parallel_loop3A_205, %parallel_loop3A_206, %parallel_loop3A_207, %parallel_loop3A_208], %parallel_loop3A_201 {strides = array<i32>} : memref<8x2x2x8x128xf32, #tpu.memory_space<vmem>>, vector<16xf32>,
        %parallel_loop3A_210 = arith.constant 5 : i32
        %parallel_loop3A_211 = arith.constant 0 : i32
        %parallel_loop3A_212 = tpu.memref_slice %arg7[%parallel_loop3A_210, %parallel_loop3A_211] : memref<16x128xf32, #tpu.memory_space<vmem>> -> memref<1x128xf32, #tpu.memory_space<vmem>>
        %parallel_loop3A_213 = tpu.memref_squeeze %parallel_loop3A_212 : memref<1x128xf32, #tpu.memory_space<vmem>> -> memref<128xf32, #tpu.memory_space<vmem>>
        %parallel_loop3A_214 = tpu.vector_load_idx %parallel_loop3A_213[%parallel_loop3A_142] : memref<128xf32, #tpu.memory_space<vmem>>[vector<16xi32>], vector<16xf32>,
        %parallel_loop3A_215 = arith.constant 0 : i32
        %parallel_loop3A_216 = arith.constant 5 : i32
        %parallel_loop3A_217 = arith.index_cast %parallel_loop3A_128 : i32 to index
        %parallel_loop3A_218 = arith.index_cast %parallel_loop3A_215 : i32 to index
        %parallel_loop3A_219 = arith.index_cast %parallel_loop3A_132 : i32 to index
        %parallel_loop3A_220 = arith.index_cast %parallel_loop3A_216 : i32 to index
        %parallel_loop3A_221 = arith.index_cast %parallel_loop3A_144 : i32 to index
        %parallel_loop3A_222 = tpu.vector_load %arg9[%parallel_loop3A_217, %parallel_loop3A_218, %parallel_loop3A_219, %parallel_loop3A_220, %parallel_loop3A_221] {strides = array<i32>} : memref<8x2x2x8x128xf32, #tpu.memory_space<vmem>>, vector<16xf32>,
        tpu.vector_store %arg9[%parallel_loop3A_217, %parallel_loop3A_218, %parallel_loop3A_219, %parallel_loop3A_220, %parallel_loop3A_221], %parallel_loop3A_214 {strides = array<i32>} : memref<8x2x2x8x128xf32, #tpu.memory_space<vmem>>, vector<16xf32>,
        %parallel_loop3A_223 = arith.constant 6 : i32
        %parallel_loop3A_224 = arith.constant 0 : i32
        %parallel_loop3A_225 = tpu.memref_slice %arg7[%parallel_loop3A_223, %parallel_loop3A_224] : memref<16x128xf32, #tpu.memory_space<vmem>> -> memref<1x128xf32, #tpu.memory_space<vmem>>
        %parallel_loop3A_226 = tpu.memref_squeeze %parallel_loop3A_225 : memref<1x128xf32, #tpu.memory_space<vmem>> -> memref<128xf32, #tpu.memory_space<vmem>>
        %parallel_loop3A_227 = tpu.vector_load_idx %parallel_loop3A_226[%parallel_loop3A_142] : memref<128xf32, #tpu.memory_space<vmem>>[vector<16xi32>], vector<16xf32>,
        %parallel_loop3A_228 = arith.constant 0 : i32
        %parallel_loop3A_229 = arith.constant 6 : i32
        %parallel_loop3A_230 = arith.index_cast %parallel_loop3A_128 : i32 to index
        %parallel_loop3A_231 = arith.index_cast %parallel_loop3A_228 : i32 to index
        %parallel_loop3A_232 = arith.index_cast %parallel_loop3A_132 : i32 to index
        %parallel_loop3A_233 = arith.index_cast %parallel_loop3A_229 : i32 to index
        %parallel_loop3A_234 = arith.index_cast %parallel_loop3A_144 : i32 to index
        %parallel_loop3A_235 = tpu.vector_load %arg9[%parallel_loop3A_230, %parallel_loop3A_231, %parallel_loop3A_232, %parallel_loop3A_233, %parallel_loop3A_234] {strides = array<i32>} : memref<8x2x2x8x128xf32, #tpu.memory_space<vmem>>, vector<16xf32>,
        tpu.vector_store %arg9[%parallel_loop3A_230, %parallel_loop3A_231, %parallel_loop3A_232, %parallel_loop3A_233, %parallel_loop3A_234], %parallel_loop3A_227 {strides = array<i32>} : memref<8x2x2x8x128xf32, #tpu.memory_space<vmem>>, vector<16xf32>,
        %parallel_loop3A_236 = arith.constant 7 : i32
        %parallel_loop3A_237 = arith.constant 0 : i32
        %parallel_loop3A_238 = tpu.memref_slice %arg7[%parallel_loop3A_236, %parallel_loop3A_237] : memref<16x128xf32, #tpu.memory_space<vmem>> -> memref<1x128xf32, #tpu.memory_space<vmem>>
        %parallel_loop3A_239 = tpu.memref_squeeze %parallel_loop3A_238 : memref<1x128xf32, #tpu.memory_space<vmem>> -> memref<128xf32, #tpu.memory_space<vmem>>
        %parallel_loop3A_240 = tpu.vector_load_idx %parallel_loop3A_239[%parallel_loop3A_142] : memref<128xf32, #tpu.memory_space<vmem>>[vector<16xi32>], vector<16xf32>,
        %parallel_loop3A_241 = arith.constant 0 : i32
        %parallel_loop3A_242 = arith.constant 7 : i32
        %parallel_loop3A_243 = arith.index_cast %parallel_loop3A_128 : i32 to index
        %parallel_loop3A_244 = arith.index_cast %parallel_loop3A_241 : i32 to index
        %parallel_loop3A_245 = arith.index_cast %parallel_loop3A_132 : i32 to index
        %parallel_loop3A_246 = arith.index_cast %parallel_loop3A_242 : i32 to index
        %parallel_loop3A_247 = arith.index_cast %parallel_loop3A_144 : i32 to index
        %parallel_loop3A_248 = tpu.vector_load %arg9[%parallel_loop3A_243, %parallel_loop3A_244, %parallel_loop3A_245, %parallel_loop3A_246, %parallel_loop3A_247] {strides = array<i32>} : memref<8x2x2x8x128xf32, #tpu.memory_space<vmem>>, vector<16xf32>,
        tpu.vector_store %arg9[%parallel_loop3A_243, %parallel_loop3A_244, %parallel_loop3A_245, %parallel_loop3A_246, %parallel_loop3A_247], %parallel_loop3A_240 {strides = array<i32>} : memref<8x2x2x8x128xf32, #tpu.memory_space<vmem>>, vector<16xf32>,
        %parallel_loop3A_249 = arith.constant 8 : i32
        %parallel_loop3A_250 = arith.constant 0 : i32
        %parallel_loop3A_251 = tpu.memref_slice %arg7[%parallel_loop3A_249, %parallel_loop3A_250] : memref<16x128xf32, #tpu.memory_space<vmem>> -> memref<1x128xf32, #tpu.memory_space<vmem>>
        %parallel_loop3A_252 = tpu.memref_squeeze %parallel_loop3A_251 : memref<1x128xf32, #tpu.memory_space<vmem>> -> memref<128xf32, #tpu.memory_space<vmem>>
        %parallel_loop3A_253 = tpu.vector_load_idx %parallel_loop3A_252[%parallel_loop3A_142] : memref<128xf32, #tpu.memory_space<vmem>>[vector<16xi32>], vector<16xf32>,
        %parallel_loop3A_254 = arith.constant 1 : i32
        %parallel_loop3A_255 = arith.constant 0 : i32
        %parallel_loop3A_256 = arith.index_cast %parallel_loop3A_128 : i32 to index
        %parallel_loop3A_257 = arith.index_cast %parallel_loop3A_254 : i32 to index
        %parallel_loop3A_258 = arith.index_cast %parallel_loop3A_132 : i32 to index
        %parallel_loop3A_259 = arith.index_cast %parallel_loop3A_255 : i32 to index
        %parallel_loop3A_260 = arith.index_cast %parallel_loop3A_144 : i32 to index
        %parallel_loop3A_261 = tpu.vector_load %arg9[%parallel_loop3A_256, %parallel_loop3A_257, %parallel_loop3A_258, %parallel_loop3A_259, %parallel_loop3A_260] {strides = array<i32>} : memref<8x2x2x8x128xf32, #tpu.memory_space<vmem>>, vector<16xf32>,
        tpu.vector_store %arg9[%parallel_loop3A_256, %parallel_loop3A_257, %parallel_loop3A_258, %parallel_loop3A_259, %parallel_loop3A_260], %parallel_loop3A_253 {strides = array<i32>} : memref<8x2x2x8x128xf32, #tpu.memory_space<vmem>>, vector<16xf32>,
        %parallel_loop3A_262 = arith.constant 9 : i32
        %parallel_loop3A_263 = arith.constant 0 : i32
        %parallel_loop3A_264 = tpu.memref_slice %arg7[%parallel_loop3A_262, %parallel_loop3A_263] : memref<16x128xf32, #tpu.memory_space<vmem>> -> memref<1x128xf32, #tpu.memory_space<vmem>>
        %parallel_loop3A_265 = tpu.memref_squeeze %parallel_loop3A_264 : memref<1x128xf32, #tpu.memory_space<vmem>> -> memref<128xf32, #tpu.memory_space<vmem>>
        %parallel_loop3A_266 = tpu.vector_load_idx %parallel_loop3A_265[%parallel_loop3A_142] : memref<128xf32, #tpu.memory_space<vmem>>[vector<16xi32>], vector<16xf32>,
        %parallel_loop3A_267 = arith.constant 1 : i32
        %parallel_loop3A_268 = arith.constant 1 : i32
        %parallel_loop3A_269 = arith.index_cast %parallel_loop3A_128 : i32 to index
        %parallel_loop3A_270 = arith.index_cast %parallel_loop3A_267 : i32 to index
        %parallel_loop3A_271 = arith.index_cast %parallel_loop3A_132 : i32 to index
        %parallel_loop3A_272 = arith.index_cast %parallel_loop3A_268 : i32 to index
        %parallel_loop3A_273 = arith.index_cast %parallel_loop3A_144 : i32 to index
        %parallel_loop3A_274 = tpu.vector_load %arg9[%parallel_loop3A_269, %parallel_loop3A_270, %parallel_loop3A_271, %parallel_loop3A_272, %parallel_loop3A_273] {strides = array<i32>} : memref<8x2x2x8x128xf32, #tpu.memory_space<vmem>>, vector<16xf32>,
        tpu.vector_store %arg9[%parallel_loop3A_269, %parallel_loop3A_270, %parallel_loop3A_271, %parallel_loop3A_272, %parallel_loop3A_273], %parallel_loop3A_266 {strides = array<i32>} : memref<8x2x2x8x128xf32, #tpu.memory_space<vmem>>, vector<16xf32>,
        %parallel_loop3A_275 = arith.constant 10 : i32
        %parallel_loop3A_276 = arith.constant 0 : i32
        %parallel_loop3A_277 = tpu.memref_slice %arg7[%parallel_loop3A_275, %parallel_loop3A_276] : memref<16x128xf32, #tpu.memory_space<vmem>> -> memref<1x128xf32, #tpu.memory_space<vmem>>
        %parallel_loop3A_278 = tpu.memref_squeeze %parallel_loop3A_277 : memref<1x128xf32, #tpu.memory_space<vmem>> -> memref<128xf32, #tpu.memory_space<vmem>>
        %parallel_loop3A_279 = tpu.vector_load_idx %parallel_loop3A_278[%parallel_loop3A_142] : memref<128xf32, #tpu.memory_space<vmem>>[vector<16xi32>], vector<16xf32>,
        %parallel_loop3A_280 = arith.constant 1 : i32
        %parallel_loop3A_281 = arith.constant 2 : i32
        %parallel_loop3A_282 = arith.index_cast %parallel_loop3A_128 : i32 to index
        %parallel_loop3A_283 = arith.index_cast %parallel_loop3A_280 : i32 to index
        %parallel_loop3A_284 = arith.index_cast %parallel_loop3A_132 : i32 to index
        %parallel_loop3A_285 = arith.index_cast %parallel_loop3A_281 : i32 to index
        %parallel_loop3A_286 = arith.index_cast %parallel_loop3A_144 : i32 to index
        %parallel_loop3A_287 = tpu.vector_load %arg9[%parallel_loop3A_282, %parallel_loop3A_283, %parallel_loop3A_284, %parallel_loop3A_285, %parallel_loop3A_286] {strides = array<i32>} : memref<8x2x2x8x128xf32, #tpu.memory_space<vmem>>, vector<16xf32>,
        tpu.vector_store %arg9[%parallel_loop3A_282, %parallel_loop3A_283, %parallel_loop3A_284, %parallel_loop3A_285, %parallel_loop3A_286], %parallel_loop3A_279 {strides = array<i32>} : memref<8x2x2x8x128xf32, #tpu.memory_space<vmem>>, vector<16xf32>,
        %parallel_loop3A_288 = arith.constant 11 : i32
        %parallel_loop3A_289 = arith.constant 0 : i32
        %parallel_loop3A_290 = tpu.memref_slice %arg7[%parallel_loop3A_288, %parallel_loop3A_289] : memref<16x128xf32, #tpu.memory_space<vmem>> -> memref<1x128xf32, #tpu.memory_space<vmem>>
        %parallel_loop3A_291 = tpu.memref_squeeze %parallel_loop3A_290 : memref<1x128xf32, #tpu.memory_space<vmem>> -> memref<128xf32, #tpu.memory_space<vmem>>
        %parallel_loop3A_292 = tpu.vector_load_idx %parallel_loop3A_291[%parallel_loop3A_142] : memref<128xf32, #tpu.memory_space<vmem>>[vector<16xi32>], vector<16xf32>,
        %parallel_loop3A_293 = arith.constant 1 : i32
        %parallel_loop3A_294 = arith.constant 3 : i32
        %parallel_loop3A_295 = arith.index_cast %parallel_loop3A_128 : i32 to index
        %parallel_loop3A_296 = arith.index_cast %parallel_loop3A_293 : i32 to index
        %parallel_loop3A_297 = arith.index_cast %parallel_loop3A_132 : i32 to index
        %parallel_loop3A_298 = arith.index_cast %parallel_loop3A_294 : i32 to index
        %parallel_loop3A_299 = arith.index_cast %parallel_loop3A_144 : i32 to index
        %parallel_loop3A_300 = tpu.vector_load %arg9[%parallel_loop3A_295, %parallel_loop3A_296, %parallel_loop3A_297, %parallel_loop3A_298, %parallel_loop3A_299] {strides = array<i32>} : memref<8x2x2x8x128xf32, #tpu.memory_space<vmem>>, vector<16xf32>,
        tpu.vector_store %arg9[%parallel_loop3A_295, %parallel_loop3A_296, %parallel_loop3A_297, %parallel_loop3A_298, %parallel_loop3A_299], %parallel_loop3A_292 {strides = array<i32>} : memref<8x2x2x8x128xf32, #tpu.memory_space<vmem>>, vector<16xf32>,
        %parallel_loop3A_301 = arith.constant 12 : i32
        %parallel_loop3A_302 = arith.constant 0 : i32
        %parallel_loop3A_303 = tpu.memref_slice %arg7[%parallel_loop3A_301, %parallel_loop3A_302] : memref<16x128xf32, #tpu.memory_space<vmem>> -> memref<1x128xf32, #tpu.memory_space<vmem>>
        %parallel_loop3A_304 = tpu.memref_squeeze %parallel_loop3A_303 : memref<1x128xf32, #tpu.memory_space<vmem>> -> memref<128xf32, #tpu.memory_space<vmem>>
        %parallel_loop3A_305 = tpu.vector_load_idx %parallel_loop3A_304[%parallel_loop3A_142] : memref<128xf32, #tpu.memory_space<vmem>>[vector<16xi32>], vector<16xf32>,
        %parallel_loop3A_306 = arith.constant 1 : i32
        %parallel_loop3A_307 = arith.constant 4 : i32
        %parallel_loop3A_308 = arith.index_cast %parallel_loop3A_128 : i32 to index
        %parallel_loop3A_309 = arith.index_cast %parallel_loop3A_306 : i32 to index
        %parallel_loop3A_310 = arith.index_cast %parallel_loop3A_132 : i32 to index
        %parallel_loop3A_311 = arith.index_cast %parallel_loop3A_307 : i32 to index
        %parallel_loop3A_312 = arith.index_cast %parallel_loop3A_144 : i32 to index
        %parallel_loop3A_313 = tpu.vector_load %arg9[%parallel_loop3A_308, %parallel_loop3A_309, %parallel_loop3A_310, %parallel_loop3A_311, %parallel_loop3A_312] {strides = array<i32>} : memref<8x2x2x8x128xf32, #tpu.memory_space<vmem>>, vector<16xf32>,
        tpu.vector_store %arg9[%parallel_loop3A_308, %parallel_loop3A_309, %parallel_loop3A_310, %parallel_loop3A_311, %parallel_loop3A_312], %parallel_loop3A_305 {strides = array<i32>} : memref<8x2x2x8x128xf32, #tpu.memory_space<vmem>>, vector<16xf32>,
        %parallel_loop3A_314 = arith.constant 13 : i32
        %parallel_loop3A_315 = arith.constant 0 : i32
        %parallel_loop3A_316 = tpu.memref_slice %arg7[%parallel_loop3A_314, %parallel_loop3A_315] : memref<16x128xf32, #tpu.memory_space<vmem>> -> memref<1x128xf32, #tpu.memory_space<vmem>>
        %parallel_loop3A_317 = tpu.memref_squeeze %parallel_loop3A_316 : memref<1x128xf32, #tpu.memory_space<vmem>> -> memref<128xf32, #tpu.memory_space<vmem>>
        %parallel_loop3A_318 = tpu.vector_load_idx %parallel_loop3A_317[%parallel_loop3A_142] : memref<128xf32, #tpu.memory_space<vmem>>[vector<16xi32>], vector<16xf32>,
        %parallel_loop3A_319 = arith.constant 1 : i32
        %parallel_loop3A_320 = arith.constant 5 : i32
        %parallel_loop3A_321 = arith.index_cast %parallel_loop3A_128 : i32 to index
        %parallel_loop3A_322 = arith.index_cast %parallel_loop3A_319 : i32 to index
        %parallel_loop3A_323 = arith.index_cast %parallel_loop3A_132 : i32 to index
        %parallel_loop3A_324 = arith.index_cast %parallel_loop3A_320 : i32 to index
        %parallel_loop3A_325 = arith.index_cast %parallel_loop3A_144 : i32 to index
        %parallel_loop3A_326 = tpu.vector_load %arg9[%parallel_loop3A_321, %parallel_loop3A_322, %parallel_loop3A_323, %parallel_loop3A_324, %parallel_loop3A_325] {strides = array<i32>} : memref<8x2x2x8x128xf32, #tpu.memory_space<vmem>>, vector<16xf32>,
        tpu.vector_store %arg9[%parallel_loop3A_321, %parallel_loop3A_322, %parallel_loop3A_323, %parallel_loop3A_324, %parallel_loop3A_325], %parallel_loop3A_318 {strides = array<i32>} : memref<8x2x2x8x128xf32, #tpu.memory_space<vmem>>, vector<16xf32>,
        %parallel_loop3A_327 = arith.constant 14 : i32
        %parallel_loop3A_328 = arith.constant 0 : i32
        %parallel_loop3A_329 = tpu.memref_slice %arg7[%parallel_loop3A_327, %parallel_loop3A_328] : memref<16x128xf32, #tpu.memory_space<vmem>> -> memref<1x128xf32, #tpu.memory_space<vmem>>
        %parallel_loop3A_330 = tpu.memref_squeeze %parallel_loop3A_329 : memref<1x128xf32, #tpu.memory_space<vmem>> -> memref<128xf32, #tpu.memory_space<vmem>>
        %parallel_loop3A_331 = tpu.vector_load_idx %parallel_loop3A_330[%parallel_loop3A_142] : memref<128xf32, #tpu.memory_space<vmem>>[vector<16xi32>], vector<16xf32>,
        %parallel_loop3A_332 = arith.constant 1 : i32
        %parallel_loop3A_333 = arith.constant 6 : i32
        %parallel_loop3A_334 = arith.index_cast %parallel_loop3A_128 : i32 to index
        %parallel_loop3A_335 = arith.index_cast %parallel_loop3A_332 : i32 to index
        %parallel_loop3A_336 = arith.index_cast %parallel_loop3A_132 : i32 to index
        %parallel_loop3A_337 = arith.index_cast %parallel_loop3A_333 : i32 to index
        %parallel_loop3A_338 = arith.index_cast %parallel_loop3A_144 : i32 to index
        %parallel_loop3A_339 = tpu.vector_load %arg9[%parallel_loop3A_334, %parallel_loop3A_335, %parallel_loop3A_336, %parallel_loop3A_337, %parallel_loop3A_338] {strides = array<i32>} : memref<8x2x2x8x128xf32, #tpu.memory_space<vmem>>, vector<16xf32>,
        tpu.vector_store %arg9[%parallel_loop3A_334, %parallel_loop3A_335, %parallel_loop3A_336, %parallel_loop3A_337, %parallel_loop3A_338], %parallel_loop3A_331 {strides = array<i32>} : memref<8x2x2x8x128xf32, #tpu.memory_space<vmem>>, vector<16xf32>,
        %parallel_loop3A_340 = arith.constant 15 : i32
        %parallel_loop3A_341 = arith.constant 0 : i32
        %parallel_loop3A_342 = tpu.memref_slice %arg7[%parallel_loop3A_340, %parallel_loop3A_341] : memref<16x128xf32, #tpu.memory_space<vmem>> -> memref<1x128xf32, #tpu.memory_space<vmem>>
        %parallel_loop3A_343 = tpu.memref_squeeze %parallel_loop3A_342 : memref<1x128xf32, #tpu.memory_space<vmem>> -> memref<128xf32, #tpu.memory_space<vmem>>
        %parallel_loop3A_344 = tpu.vector_load_idx %parallel_loop3A_343[%parallel_loop3A_142] : memref<128xf32, #tpu.memory_space<vmem>>[vector<16xi32>], vector<16xf32>,
        %parallel_loop3A_345 = arith.constant 1 : i32
        %parallel_loop3A_346 = arith.constant 7 : i32
        %parallel_loop3A_347 = arith.index_cast %parallel_loop3A_128 : i32 to index
        %parallel_loop3A_348 = arith.index_cast %parallel_loop3A_345 : i32 to index
        %parallel_loop3A_349 = arith.index_cast %parallel_loop3A_132 : i32 to index
        %parallel_loop3A_350 = arith.index_cast %parallel_loop3A_346 : i32 to index
        %parallel_loop3A_351 = arith.index_cast %parallel_loop3A_144 : i32 to index
        %parallel_loop3A_352 = tpu.vector_load %arg9[%parallel_loop3A_347, %parallel_loop3A_348, %parallel_loop3A_349, %parallel_loop3A_350, %parallel_loop3A_351] {strides = array<i32>} : memref<8x2x2x8x128xf32, #tpu.memory_space<vmem>>, vector<16xf32>,
        tpu.vector_store %arg9[%parallel_loop3A_347, %parallel_loop3A_348, %parallel_loop3A_349, %parallel_loop3A_350, %parallel_loop3A_351], %parallel_loop3A_344 {strides = array<i32>} : memref<8x2x2x8x128xf32, #tpu.memory_space<vmem>>, vector<16xf32>,
      } {sc.loop_unroll_factor = 8 : i64, sc.parallel_access}
      %mul3A_105 = arith.constant 8 : i32
      %mul3A_106 = arith.muli %add3A_88, %mul3A_105 : i32
      %dma_start3A_107 = arith.constant 0 : i32
      %dma_start3A_108 = arith.constant 0 : i32
      %dma_start3A_109 = arith.constant 0 : i32
      %dma_start3A_110 = arith.constant 0 : i32
      %dma_start3A_111 = tpu.memref_slice %arg4[%add3A, %mul3A_106, %dma_start3A_107, %dma_start3A_108, %dma_start3A_109, %dma_start3A_110] : memref<32x256x2x2x8x128xf32, #tpu.memory_space<hbm>> -> memref<1x8x2x2x8x128xf32, #tpu.memory_space<hbm>>
      %dma_start3A_112 = tpu.memref_squeeze %dma_start3A_111 : memref<1x8x2x2x8x128xf32, #tpu.memory_space<hbm>> -> memref<8x2x2x8x128xf32, #tpu.memory_space<hbm>>
      %dma_start3A_113 = arith.constant 0 : i32
      %dma_start3A_114 = arith.constant 0 : i32
      %dma_start3A_115 = arith.constant 0 : i32
      %dma_start3A_116 = arith.constant 0 : i32
      %dma_start3A_117 = tpu.memref_slice %arg4[%add3A, %mul3A_106, %dma_start3A_113, %dma_start3A_114, %dma_start3A_115, %dma_start3A_116] : memref<32x256x2x2x8x128xf32, #tpu.memory_space<hbm>> -> memref<1x8x2x2x8x128xf32, #tpu.memory_space<hbm>>
      %dma_start3A_118 = tpu.memref_squeeze %dma_start3A_117 : memref<1x8x2x2x8x128xf32, #tpu.memory_space<hbm>> -> memref<8x2x2x8x128xf32, #tpu.memory_space<hbm>>
      tpu.enqueue_dma source(%arg9 : memref<8x2x2x8x128xf32, #tpu.memory_space<vmem>>) target(%dma_start3A_118 : memref<8x2x2x8x128xf32, #tpu.memory_space<hbm>>) target_semaphore(%arg13 : memref<!tpu.dma_semaphore, #tpu.memory_space<semaphore_mem>>)
      %add3A_119 = arith.constant 2 : i32
      %add3A_120 = arith.addi %add3A_88, %add3A_119 : i32
      %lt3A_121 = arith.constant 32 : i32
      %lt3A_122 = arith.cmpi slt, %add3A_120, %lt3A_121 : i32
      %convert_element_type3A_123 = arith.extui %lt3A_122 : i1 to i32
      %cond3A_124 = arith.constant 0 : i32
      %cond3A_125 = arith.cmpi ne, %convert_element_type3A_123, %cond3A_124 : i32
      scf.if %cond3A_125 {
        %add3A_126 = arith.constant 2 : i32
        %add3A_127 = arith.addi %add3A_88, %add3A_126 : i32
        %mul3A_128 = arith.constant 8 : i32
        %mul3A_129 = arith.muli %add3A_127, %mul3A_128 : i32
        %dma_start3A_130 = arith.constant 0 : i32
        %dma_start3A_131 = tpu.memref_slice %arg2[%add3A, %mul3A_129, %dma_start3A_130] : memref<32x256x256xi32, #tpu.memory_space<hbm>> -> memref<1x8x256xi32, #tpu.memory_space<hbm>>
        %dma_start3A_132 = tpu.memref_squeeze %dma_start3A_131 : memref<1x8x256xi32, #tpu.memory_space<hbm>> -> memref<8x256xi32, #tpu.memory_space<hbm>>
        %dma_start3A_133 = arith.constant 0 : i32
        %dma_start3A_134 = tpu.memref_slice %arg2[%add3A, %mul3A_129, %dma_start3A_133] : memref<32x256x256xi32, #tpu.memory_space<hbm>> -> memref<1x8x256xi32, #tpu.memory_space<hbm>>
        %dma_start3A_135 = tpu.memref_squeeze %dma_start3A_134 : memref<1x8x256xi32, #tpu.memory_space<hbm>> -> memref<8x256xi32, #tpu.memory_space<hbm>>
        tpu.enqueue_dma source(%dma_start3A_135 : memref<8x256xi32, #tpu.memory_space<hbm>>) target(%arg6 : memref<8x256xi32, #tpu.memory_space<vmem>>) target_semaphore(%arg11 : memref<!tpu.dma_semaphore, #tpu.memory_space<semaphore_mem>>)
      } else {
      }
    }
    %scan3A_20 = arith.constant 16 : i32
    %dma_wait3A = arith.constant 0 : i32
    %dma_wait3A_21 = arith.constant 0 : i32
    %dma_wait3A_22 = arith.constant 0 : i32
    %dma_wait3A_23 = arith.constant 0 : i32
    %dma_wait3A_24 = arith.constant 0 : i32
    %dma_wait3A_25 = tpu.memref_slice %arg4[%add3A, %dma_wait3A, %dma_wait3A_21, %dma_wait3A_22, %dma_wait3A_23, %dma_wait3A_24] : memref<32x256x2x2x8x128xf32, #tpu.memory_space<hbm>> -> memref<1x8x2x2x8x128xf32, #tpu.memory_space<hbm>>
    %dma_wait3A_26 = tpu.memref_squeeze %dma_wait3A_25 : memref<1x8x2x2x8x128xf32, #tpu.memory_space<hbm>> -> memref<8x2x2x8x128xf32, #tpu.memory_space<hbm>>
    %dma_wait3A_27 = arith.constant 0 : i32
    %dma_wait3A_28 = arith.constant 0 : i32
    %dma_wait3A_29 = arith.constant 0 : i32
    %dma_wait3A_30 = arith.constant 0 : i32
    %dma_wait3A_31 = arith.constant 0 : i32
    %dma_wait3A_32 = tpu.memref_slice %arg4[%add3A, %dma_wait3A_27, %dma_wait3A_28, %dma_wait3A_29, %dma_wait3A_30, %dma_wait3A_31] : memref<32x256x2x2x8x128xf32, #tpu.memory_space<hbm>> -> memref<1x8x2x2x8x128xf32, #tpu.memory_space<hbm>>
    %dma_wait3A_33 = tpu.memref_squeeze %dma_wait3A_32 : memref<1x8x2x2x8x128xf32, #tpu.memory_space<hbm>> -> memref<8x2x2x8x128xf32, #tpu.memory_space<hbm>>
    tpu.wait_dma2 semaphore(%arg12 : memref<!tpu.dma_semaphore, #tpu.memory_space<semaphore_mem>>) src(%arg8 : memref<8x2x2x8x128xf32, #tpu.memory_space<vmem>>) dst(%dma_wait3A_33 : memref<8x2x2x8x128xf32, #tpu.memory_space<hbm>>)
    %dma_wait3A_34 = arith.constant 0 : i32
    %dma_wait3A_35 = arith.constant 0 : i32
    %dma_wait3A_36 = arith.constant 0 : i32
    %dma_wait3A_37 = arith.constant 0 : i32
    %dma_wait3A_38 = arith.constant 0 : i32
    %dma_wait3A_39 = tpu.memref_slice %arg4[%add3A, %dma_wait3A_34, %dma_wait3A_35, %dma_wait3A_36, %dma_wait3A_37, %dma_wait3A_38] : memref<32x256x2x2x8x128xf32, #tpu.memory_space<hbm>> -> memref<1x8x2x2x8x128xf32, #tpu.memory_space<hbm>>
    %dma_wait3A_40 = tpu.memref_squeeze %dma_wait3A_39 : memref<1x8x2x2x8x128xf32, #tpu.memory_space<hbm>> -> memref<8x2x2x8x128xf32, #tpu.memory_space<hbm>>
    %dma_wait3A_41 = arith.constant 0 : i32
    %dma_wait3A_42 = arith.constant 0 : i32
    %dma_wait3A_43 = arith.constant 0 : i32
    %dma_wait3A_44 = arith.constant 0 : i32
    %dma_wait3A_45 = arith.constant 0 : i32
    %dma_wait3A_46 = tpu.memref_slice %arg4[%add3A, %dma_wait3A_41, %dma_wait3A_42, %dma_wait3A_43, %dma_wait3A_44, %dma_wait3A_45] : memref<32x256x2x2x8x128xf32, #tpu.memory_space<hbm>> -> memref<1x8x2x2x8x128xf32, #tpu.memory_space<hbm>>
    %dma_wait3A_47 = tpu.memref_squeeze %dma_wait3A_46 : memref<1x8x2x2x8x128xf32, #tpu.memory_space<hbm>> -> memref<8x2x2x8x128xf32, #tpu.memory_space<hbm>>
    tpu.wait_dma2 semaphore(%arg13 : memref<!tpu.dma_semaphore, #tpu.memory_space<semaphore_mem>>) src(%arg9 : memref<8x2x2x8x128xf32, #tpu.memory_space<vmem>>) dst(%dma_wait3A_47 : memref<8x2x2x8x128xf32, #tpu.memory_space<hbm>>)
    return
  }
}

module attributes {stable_mosaic.version = 14 : i64} {
  func.func @_gcn_table_body(%arg0: memref<5x5xf32, #tpu.memory_space<vmem>>, %arg1: memref<5x16xf32, #tpu.memory_space<vmem>>, %arg2: memref<32x16xf32, #tpu.memory_space<vmem>>, %arg3: memref<32x32xf32, #tpu.memory_space<vmem>>, %arg4: memref<32x32xf32, #tpu.memory_space<vmem>>, %arg5: memref<16x32xf32, #tpu.memory_space<vmem>>, %arg6: memref<1x16xf32, #tpu.memory_space<vmem>>, %arg7: memref<16x128xf32, #tpu.memory_space<vmem>>) attributes {dimension_semantics = [], scalar_prefetch = 0 : i64, scratch_operands = 0 : i64, tpu.core_type = #tpu.core_type<tc>} {
    %get3A = arith.constant 0 : index
    %get3A_0 = arith.constant 0 : index
    %get3A_1 = vector.load %arg0[%get3A, %get3A_0] : memref<5x5xf32, #tpu.memory_space<vmem>>, vector<5x5xf32>
    %get3A_2 = arith.constant 0 : index
    %get3A_3 = arith.constant 0 : index
    %get3A_4 = vector.load %arg1[%get3A_2, %get3A_3] : memref<5x16xf32, #tpu.memory_space<vmem>>, vector<5x16xf32>
    %dot_general3A = arith.constant dense<0.000000e+00> : vector<5x16xf32>
    %dot_general3A_5 = tpu.matmul %get3A_1, %get3A_4, %dot_general3A {dimension_numbers = #tpu.dot_dimension_numbers<[1], [0], [0], [1], [0, 0, 1, 1], [], []>, transpose_lhs_hint = false} : vector<5x5xf32>, vector<5x16xf32>, vector<5x16xf32> -> vector<5x16xf32>
    %get3A_6 = arith.constant 0 : index
    %get3A_7 = arith.constant 0 : index
    %get3A_8 = vector.load %arg2[%get3A_6, %get3A_7] : memref<32x16xf32, #tpu.memory_space<vmem>>, vector<32x16xf32>
    %dot_general3A_9 = arith.constant dense<0.000000e+00> : vector<5x32xf32>
    %dot_general3A_10 = tpu.matmul %dot_general3A_5, %get3A_8, %dot_general3A_9 {dimension_numbers = #tpu.dot_dimension_numbers<[1], [1], [0], [0], [0, 0, 1, 0], [], []>, transpose_lhs_hint = false} : vector<5x16xf32>, vector<32x16xf32>, vector<5x32xf32> -> vector<5x32xf32>
    %max3A = arith.constant 0.000000e+00 : f32
    %max3A_11 = vector.broadcast %max3A : f32 to vector<5x32xf32>
    %max3A_12 = arith.maximumf %dot_general3A_10, %max3A_11 : vector<5x32xf32>
    %dot_general3A_13 = arith.constant dense<0.000000e+00> : vector<5x32xf32>
    %dot_general3A_14 = tpu.matmul %get3A_1, %max3A_12, %dot_general3A_13 {dimension_numbers = #tpu.dot_dimension_numbers<[1], [0], [0], [1], [0, 0, 1, 1], [], []>, transpose_lhs_hint = false} : vector<5x5xf32>, vector<5x32xf32>, vector<5x32xf32> -> vector<5x32xf32>
    %get3A_15 = arith.constant 0 : index
    %get3A_16 = arith.constant 0 : index
    %get3A_17 = vector.load %arg3[%get3A_15, %get3A_16] : memref<32x32xf32, #tpu.memory_space<vmem>>, vector<32x32xf32>
    %dot_general3A_18 = arith.constant dense<0.000000e+00> : vector<5x32xf32>
    %dot_general3A_19 = tpu.matmul %dot_general3A_14, %get3A_17, %dot_general3A_18 {dimension_numbers = #tpu.dot_dimension_numbers<[1], [1], [0], [0], [0, 0, 1, 0], [], []>, transpose_lhs_hint = false} : vector<5x32xf32>, vector<32x32xf32>, vector<5x32xf32> -> vector<5x32xf32>
    %max3A_20 = arith.constant 0.000000e+00 : f32
    %max3A_21 = vector.broadcast %max3A_20 : f32 to vector<5x32xf32>
    %max3A_22 = arith.maximumf %dot_general3A_19, %max3A_21 : vector<5x32xf32>
    %dot_general3A_23 = arith.constant dense<0.000000e+00> : vector<5x32xf32>
    %dot_general3A_24 = tpu.matmul %get3A_1, %max3A_22, %dot_general3A_23 {dimension_numbers = #tpu.dot_dimension_numbers<[1], [0], [0], [1], [0, 0, 1, 1], [], []>, transpose_lhs_hint = false} : vector<5x5xf32>, vector<5x32xf32>, vector<5x32xf32> -> vector<5x32xf32>
    %get3A_25 = arith.constant 0 : index
    %get3A_26 = arith.constant 0 : index
    %get3A_27 = vector.load %arg4[%get3A_25, %get3A_26] : memref<32x32xf32, #tpu.memory_space<vmem>>, vector<32x32xf32>
    %dot_general3A_28 = arith.constant dense<0.000000e+00> : vector<5x32xf32>
    %dot_general3A_29 = tpu.matmul %dot_general3A_24, %get3A_27, %dot_general3A_28 {dimension_numbers = #tpu.dot_dimension_numbers<[1], [1], [0], [0], [0, 0, 1, 0], [], []>, transpose_lhs_hint = false} : vector<5x32xf32>, vector<32x32xf32>, vector<5x32xf32> -> vector<5x32xf32>
    %max3A_30 = arith.constant 0.000000e+00 : f32
    %max3A_31 = vector.broadcast %max3A_30 : f32 to vector<5x32xf32>
    %max3A_32 = arith.maximumf %dot_general3A_29, %max3A_31 : vector<5x32xf32>
    %get3A_33 = arith.constant 0 : index
    %get3A_34 = arith.constant 0 : index
    %get3A_35 = vector.load %arg5[%get3A_33, %get3A_34] : memref<16x32xf32, #tpu.memory_space<vmem>>, vector<16x32xf32>
    %dot_general3A_36 = arith.constant dense<0.000000e+00> : vector<5x16xf32>
    %dot_general3A_37 = tpu.matmul %max3A_32, %get3A_35, %dot_general3A_36 {dimension_numbers = #tpu.dot_dimension_numbers<[1], [1], [0], [0], [0, 0, 1, 0], [], []>, transpose_lhs_hint = false} : vector<5x32xf32>, vector<16x32xf32>, vector<5x16xf32> -> vector<5x16xf32>
    %get3A_38 = arith.constant 0 : index
    %get3A_39 = arith.constant 0 : index
    %get3A_40 = vector.load %arg6[%get3A_38, %get3A_39] : memref<1x16xf32, #tpu.memory_space<vmem>>, vector<1x16xf32>
    %add3A = vector.broadcast %get3A_40 : vector<1x16xf32> to vector<5x16xf32>
    %add3A_41 = arith.addf %dot_general3A_37, %add3A : vector<5x16xf32>
    %iota3A = tpu.iota {dimensions = array<i32: 0>} : vector<5x128xi32>
    %iota3A_42 = tpu.iota {dimensions = array<i32: 1>} : vector<5x128xi32>
    %add3A_43 = arith.constant 1 : i32
    %add3A_44 = vector.broadcast %add3A_43 : i32 to vector<5x128xi32>
    %add3A_45 = arith.addi %iota3A, %add3A_44 : vector<5x128xi32>
    %eq3A = arith.cmpi eq, %iota3A_42, %add3A_45 : vector<5x128xi32>
    %convert_element_type3A = arith.extui %eq3A : vector<5x128xi1> to vector<5x128xi32>
    %convert_element_type3A_46 = arith.sitofp %convert_element_type3A : vector<5x128xi32> to vector<5x128xf32>
    %eq3A_47 = arith.constant 0 : i32
    %eq3A_48 = vector.broadcast %eq3A_47 : i32 to vector<5x128xi32>
    %eq3A_49 = arith.cmpi eq, %iota3A_42, %eq3A_48 : vector<5x128xi32>
    %eq3A_50 = arith.constant 0 : i32
    %eq3A_51 = vector.broadcast %eq3A_50 : i32 to vector<5x128xi32>
    %eq3A_52 = arith.cmpi eq, %iota3A, %eq3A_51 : vector<5x128xi32>
    %and3A = arith.andi %eq3A_49, %eq3A_52 : vector<5x128xi1>
    %convert_element_type3A_53 = arith.extui %and3A : vector<5x128xi1> to vector<5x128xi32>
    %convert_element_type3A_54 = arith.sitofp %convert_element_type3A_53 : vector<5x128xi32> to vector<5x128xf32>
    %dot_general3A_55 = arith.constant dense<0.000000e+00> : vector<16x128xf32>
    %dot_general3A_56 = tpu.matmul %get3A_4, %convert_element_type3A_54, %dot_general3A_55 {dimension_numbers = #tpu.dot_dimension_numbers<[0], [0], [1], [1], [0, 1, 1, 1], [], []>, transpose_lhs_hint = false} : vector<5x16xf32>, vector<5x128xf32>, vector<16x128xf32> -> vector<16x128xf32>
    %dot_general3A_57 = arith.constant dense<0.000000e+00> : vector<16x128xf32>
    %dot_general3A_58 = tpu.matmul %add3A_41, %convert_element_type3A_46, %dot_general3A_57 {dimension_numbers = #tpu.dot_dimension_numbers<[0], [0], [1], [1], [0, 1, 1, 1], [], []>, transpose_lhs_hint = false} : vector<5x16xf32>, vector<5x128xf32>, vector<16x128xf32> -> vector<16x128xf32>
    %add3A_59 = arith.addf %dot_general3A_56, %dot_general3A_58 : vector<16x128xf32>
    %swap3A = arith.constant 0 : index
    %swap3A_60 = arith.constant 0 : index
    %swap3A_61 = vector.load %arg7[%swap3A, %swap3A_60] : memref<16x128xf32, #tpu.memory_space<vmem>>, vector<16x128xf32>
    tpu.vector_store %arg7[%swap3A, %swap3A_60], %add3A_59 {strides = array<i32>} : memref<16x128xf32, #tpu.memory_space<vmem>>, vector<16x128xf32>,
    return
  }
}

</mosaic_0001>

<sc_bundles>
// kernel: kernel.4.cloned.1.call-start
scs
__scs_entry_jumppad:
0x0: {  	(pc) =	sbr.rel $0x88, $3  }
0x1: {  	(tag) =	ssettag $0x0;
	lr =	simm.s32 $0x1  }
0x2: {  	[smem:$0x3F99] =	sst lr;
	_ =	strace $0xD0000000  }
0x3: {  	_ = 	snop  }
0x4: {  	_ = 	snop  }
0x5: {  	_ = 	snop  }
0x6: {  	_ = 	snop  }
0x7: {  	_ = 	snop  }
__scs_overlays_trampoline_lowered:
0x8: {  	[smem:$0x3FA8] =	sst s0  }
0x9: {  	[smem:$0x3FA9] =	sst s1  }
0xa: {  	[smem:$0x3FAA] =	sst s2  }
0xb: {  	[smem:$0x3FAB] =	sst s3  }
0xc: {  	[smem:$0x3FAC] =	sst s4  }
0xd: {  	[smem:$0x3FAD] =	sst s5  }
0xe: {  	[smem:$0x3FAE] =	sst s6  }
0xf: {  	[smem:$0x3FAF] =	sst s7  }
0x10: {  	[smem:$0x3FB0] =	sst s8  }
0x11: {  	[smem:$0x3FB1] =	sst s9;
	s0 =	simm.s32 @!p0 $0x0  }
0x12: {  	s1 =	sld [smem:$0x3F97];
	s0 =	simm.s32 @p0 $0x1  }
0x13: {  	[smem:$0x3FB2] =	sst s0;
	s0 =	simm.s32 @!p1 $0x0  }
0x14: {  	s2 =	sld [smem:$0x3F96];
	s0 =	simm.s32 @p1 $0x1  }
0x15: {  	[smem:$0x3FB3] =	sst s0;
	s0 =	simm.s32 @!p2 $0x0  }
0x16: {  	s3 =	sld [smem:$0x3FDB];
	s0 =	simm.s32 @p2 $0x1  }
0x17: {  	s4 =	simm.s32 $0x1BF5;
	[smem:$0x3FB5] =	sst s0  }
0x18: {  	s0 =	sld [smem:$0x3F98];
	_ =	swait.ge [sflag:s4], $0x0  }
0x19: {  	s7 =	sld [smem:$0x3F99]  }
0x1a: {  	s8 =	sadd.s32 $0xFFFFE003, lr  }
0x1b: {  	s9 =	sadd.s32 $0xFFFFFEF7, lr;
	s5 =	simm.s32 $0xFFFFFFFF;
	p2 =	slt.u32 s8, $0xFFFFF086  }
0x1c: {  	p1 =	slt.u32 s9, $0xF7A;
	s5 =	simm.s32 @!p2 $0x0  }
0x1d: {  	s5 =	simm.s32 @p1 $0x1;
	p0 =	seq.s32 s7, s2  }
0x1e: {  	s7 =	smul.u32 @!p0 $0xF7A, s2;
	p2 =	seq.s32 @!p0 s5, $0x0  }
0x1f: {  	s9 =	smul.u32 $0xF7A, s1;
	s8 =	simm.s32 @!p0 $0x1BF5;
	p2 =	por !p2, p0  }
0x20: {  	[sflag:s8] =	ssyncset.s32 @!p0 $0xFFFFF086;
	s6 =	sadd.s32 @!p0 s3, s7;
	s7 =	simm.s32 @!p0 $0x108  }
0x21: {  	s3 =	sadd.s32 s3, s9;
	s6 =	sadd.s32 @!p0 $0x88, s6;
	s7 =	simm.s32 @p2 $0x1082  }
0x22: {  	[simem:s7], [sflag:s8] =	dma.local @!p0 [hbm:s6], $0xF7A  }
0x23: {  	s9 =	sor.u32 $0xD0000000, s2;
	s6 =	simm.s32 $0x108;
	_ =	swait.ge @!p0 [sflag:s8], $0x0  }
0x24: {  	s3 =	sadd.s32 $0x88, s3;
	s6 =	simm.s32 @!p1 $0x1082;
	[sflag:s4] =	ssyncset.s32 $0xFFFFF086  }
0x25: {  	[simem:s6], [sflag:s4] =	dma.local [hbm:s3], $0xF7A  }
0x26: {  	[smem:$0x3F99] =	sst s1;
	(tag) =	ssettag s2;
	_ =	strace s9  }
0x27: {  	s1 =	sld [smem:$0x3FA9]  }
0x28: {  	s2 =	sld [smem:$0x3FAA]  }
0x29: {  	s4 =	sld [smem:$0x3FAC]  }
0x2a: {  	p0 =	seq.s32 s5, $0x0;
	s5 =	sld [smem:$0x3FAD]  }
0x2b: {  	s6 =	sld [smem:$0x3FAE]  }
0x2c: {  	s7 =	sld [smem:$0x3FAF]  }
0x2d: {  	s3 =	simm.s32 $0x108;
	s8 =	sld [smem:$0x3FB0]  }
0x2e: {  	s3 =	simm.s32 @!p0 $0x1082;
	s9 =	sld [smem:$0x3FB1]  }
0x2f: {  	lr =	sadd.s32 s0, s3;
	s0 =	sld [smem:$0x3FA8]  }
0x30: {  	s3 =	sld [smem:$0x3FAB]  }
0x31: {  	[smem:$0x3FB4] =	sst s10  }
0x32: {  	s10 =	sld [smem:$0x3FB2];
	_ =	sdelay $0x3  }
0x33: {  	p0 =	seq.s32 s10, $0x1;
	s10 =	sld [smem:$0x3FB4];
	_ =	sdelay $0x3  }
0x34: {  	[smem:$0x3FB4] =	sst s10  }
0x35: {  	s10 =	sld [smem:$0x3FB3];
	_ =	sdelay $0x3  }
0x36: {  	p1 =	seq.s32 s10, $0x1;
	s10 =	sld [smem:$0x3FB4];
	_ =	sdelay $0x3  }
0x37: {  	[smem:$0x3FB4] =	sst s10  }
0x38: {  	s10 =	sld [smem:$0x3FB5]  }
0x39: {  	_ = 	snop;
	(pc) =	sbr.ind lr, $3  }
0x3a: {  	_ = 	snop  }
0x3b: {  	_ = 	snop  }
0x3c: {  	p2 =	seq.s32 s10, $0x1;
	s10 =	sld [smem:$0x3FB4]  }
0x3d: {  	_ =	shalt  }
0x3e: {  	_ =	shalt  }
0x3f: {  	_ =	shalt  }
0x40: {  	_ =	shalt  }
0x41: {  	_ =	shalt  }
0x42: {  	_ =	shalt  }
0x43: {  	_ =	shalt  }
0x44: {  	_ =	shalt  }
0x45: {  	_ =	shalt  }
0x46: {  	_ =	shalt  }
0x47: {  	_ =	shalt  }
0x48: {  	_ =	shalt  }
0x49: {  	_ =	shalt  }
0x4a: {  	_ =	shalt  }
0x4b: {  	_ =	shalt  }
0x4c: {  	_ =	shalt  }
0x4d: {  	_ =	shalt  }
0x4e: {  	_ =	shalt  }
0x4f: {  	_ =	shalt  }
0x50: {  	_ =	shalt  }
0x51: {  	_ =	shalt  }
0x52: {  	_ =	shalt  }
0x53: {  	_ =	shalt  }
0x54: {  	_ =	shalt  }
0x55: {  	_ =	shalt  }
0x56: {  	_ =	shalt  }
0x57: {  	_ =	shalt  }
0x58: {  	_ =	shalt  }
0x59: {  	_ =	shalt  }
0x5a: {  	_ =	shalt  }
0x5b: {  	_ =	shalt  }
0x5c: {  	_ =	shalt  }
0x5d: {  	_ =	shalt  }
0x5e: {  	_ =	shalt  }
0x5f: {  	_ =	shalt  }
0x60: {  	_ =	shalt  }
0x61: {  	_ =	shalt  }
0x62: {  	_ =	shalt  }
0x63: {  	_ =	shalt  }
0x64: {  	_ =	shalt  }
0x65: {  	_ =	shalt  }
0x66: {  	_ =	shalt  }
0x67: {  	_ =	shalt  }
0x68: {  	_ =	shalt  }
0x69: {  	_ =	shalt  }
0x6a: {  	_ =	shalt  }
0x6b: {  	_ =	shalt  }
0x6c: {  	_ =	shalt  }
0x6d: {  	_ =	shalt  }
0x6e: {  	_ =	shalt  }
0x6f: {  	_ =	shalt  }
0x70: {  	_ =	shalt  }
0x71: {  	_ =	shalt  }
0x72: {  	_ =	shalt  }
0x73: {  	_ =	shalt  }
0x74: {  	_ =	shalt  }
0x75: {  	_ =	shalt  }
0x76: {  	_ =	shalt  }
0x77: {  	_ =	shalt  }
0x78: {  	_ =	shalt  }
0x79: {  	_ =	shalt  }
0x7a: {  	_ =	shalt  }
0x7b: {  	_ =	shalt  }
0x7c: {  	_ =	shalt  }
0x7d: {  	_ =	shalt  }
0x7e: {  	_ =	shalt  }
0x7f: {  	_ =	shalt  }
0x80: {  	_ =	shalt  }
0x81: {  	_ =	shalt  }
0x82: {  	_ =	shalt  }
0x83: {  	_ =	shalt  }
0x84: {  	_ =	shalt  }
0x85: {  	_ =	shalt  }
0x86: {  	_ =	shalt  }
0x87: {  	_ =	shalt  }
.Lfunc_end0:
.L_simem_size_0:
called_computation_lowered:
.L_overlay_start_0:
0x88: {  	s2 =	sld [smem:$0x3FD9]  }
0x89: {  	s3 =	sld [smem:$0x3FFE];
	_ =	sdelay $0x1  }
0x8a: {  	s1 =	srdreg.scid  }
0x8b: {  	s0 =	sand.u32 $0x1, s1  }
0x8c: {  	s17 =	sshll.u32 s0, $0xA;
	s2 =	sadd.s32 s3, s2  }
0x8d: {  	s2 =	sadd.s32 s2, s17  }
0x8e: {  	[smem:$0x3FC0] =	sst s2  }
0x8f: {  	_ = 	snop  }
0x90: {  	s2 =	sld [smem:$0x3FC9]  }
0x91: {  	s18 =	sld [smem:$0x3FD0];
	(tm) =	ssettm $0x1  }
0x92: {  	s4 =	sld [smem:$0x3FFB];
	_ =	sdelay $0x3  }
0x93: {  	_ =	strace s4  }
0x94: {  	s4 =	sld [smem:$0x3FFC];
	_ =	sdelay $0x3  }
0x95: {  	_ =	strace s4  }
0x96: {  	s4 =	sld [smem:$0x3FFD];
	_ =	sdelay $0x3  }
0x97: {  	_ =	strace s4  }
0x98: {  	_ =	strace $0x8FFFFFFF  }
0x99: {  	s19 =	sld [smem:$0x3FDB];
	_ =	sdelay $0x1  }
0x9a: {  	s5 =	simm.s32 $_scs_section_size  }
0x9b: {  	s6 =	simm.s32 $_size__tile_overlayer_lowered;
	s7 =	simm.s32 $_tile_overlayer_lowered  }
0x9c: {  	s22 =	simm.s32 $0x1BFF;
	s21 =	sshll.u32 s7, $0x1;
	s4 =	sadd.s32 s5, s19  }
0x9d: {  	s8 =	simm.s32 $0x0;
	s20 =	sshll.u32 s6, $0x1;
	s6 =	sadd.s32 s21, s4  }
0x9e: {  	[timem:s8], [sflag:s22] =	dma.local [hbm:s6], s20  }
0x9f: {  	_ =	swait.ge [sflag:s22], s20  }
0xa0: {  	s5 =	ssub.s32 $0x0, s20;
	[sflag:s22] =	ssyncset.done $0x0  }
0xa1: {  	[sflag:s22] =	ssyncadd.s32 s5;
	_ =	sdelay $0x1  }
0xa2: {  	s23 =	simm.s32 $0x1B8B  }
0xa3: {  	_ =	swait.ge [sflag:s23], $0x1  }
0xa4: {  	[sflag:s23] =	ssyncset.done $0x0  }
0xa5: {  	s25 =	simm.s32 $0x1B8E;
	s24 =	sld [smem:$0x3FFE];
	[sflag:s23] =	ssyncadd.s32 $0xFFFFFFFF  }
0xa6: {  	s26 =	simm.s32 $execute0_lowered;
	[smem:$0x3FD2] =	sst s25  }
0xa7: {  	s6 =	sshll.u32 s26, $0x1;
	_ =	strace $0x80000046;
	[dreg:$0x1] =	wrdreg $0xFFFFFFFF  }
0xa8: {  	s28 =	simm.s32 $_size_execute0_lowered;
	s4 =	sadd.s32 s4, s6;
	[dreg:$0x0] =	wrdreg $0x0  }
0xa9: {  	s6 =	sshll.u32 s28, $0x1;
	[dreg:$0x2] =	wrdreg s4  }
0xaa: {  	[dreg:$0x3] =	wrdreg s6  }
0xab: {  	[dreg:$0x4] =	wrdreg $0xC0  }
0xac: {  	_ =	task [dreg:s8], $0x5FFFF  }
0xad: {  	[dreg:$0x1] =	wrdreg $0xFFFFFFFF  }
0xae: {  	[dreg:$0x0] =	wrdreg $0x60  }
0xaf: {  	[dreg:$0x2] =	wrdreg s2  }
0xb0: {  	[dreg:$0x3] =	wrdreg s24  }
0xb1: {  	[dreg:$0x4] =	wrdreg s18  }
0xb2: {  	[dreg:$0x5] =	wrdreg $0x9  }
0xb3: {  	_ =	task.clear_ibuf [dreg:s8], $0x6FFFF;
	_ =	strace $0x90000046  }
0xb4: {  	s29 =	simm.s32 $0x9;
	_ =	strace $0x80000048  }
0xb5: {  	_ =	swait.ge [sflag:s29], $0x1  }
0xb6: {  	[sflag:s29] =	ssyncadd.s32 $0xFFFFFFFF  }
0xb7: {  	_ =	strace $0x90000048  }
0xb8: {  	_ =	sfence  }
0xb9: {  	s30 =	sld [smem:$0x0];
	_ =	sdelay $0x2  }
0xba: {  	s31 =	sshll.u32 s1, $0xD;
	s1 =	sshrl.u32 s1, $0x2  }
0xbb: {  	s3 =	sand.u32 $0x4000, s31;
	s1 =	sadd.s32 s1, s30  }
0xbc: {  	s0 =	sor.u32 s3, s0;
	s1 =	sshll.u32 s1, $0x11  }
0xbd: {  	s0 =	sor.u32 s1, s0  }
0xbe: {  	s0 =	sadd.s32 $0x8F2B, s0  }
0xbf: {  	[sflag:s0] =	ssyncadd.remote.s32 $0x1  }
0xc0: {  	_ =	sfence.sel $0xFFFF  }
0xc1: {  	[dreg:$0x0] =	wrdreg $0xFFFFFFFF;
	(pc) =	sbr.abs _section_cstart, $3  }
0xc2: {  	[dreg:$0x1] =	wrdreg $0xFFFFFFFF  }
0xc3: {  	_ =	task.clear_ibuf [dreg:s8], $0x2FFFF;
	_ =	strace $0x9FFFFFFF  }
0xc4: {  	(tm) =	ssettm $0x7FFFFFFF  }
0xc5: {  	_ =	shalt  }
tec
execute0_lowered:
.L_overlay_start_1:
0x0: {  	(tag) =	ssettag $0x1  }
0x1: {  	s1 =	rddreg [dreg:$0x0]  }
0x2: {  	s0 =	rddreg [dreg:$0x1]  }
0x3: {  	s3 =	rddreg [dreg:$0x2]  }
0x4: {  	s2 =	srdreg.scid;
	s4 =	simm.s32 $0x0;
	s6 =	stileid.u32  }
0x5: {  	s13 =	simm.s32 $0x1000;
	s16 =	simm.s32 $0x1;
	s17 =	simm.s32 $0x1080  }
0x6: {  	s18 =	simm.s32 $0x1100;
	s19 =	simm.s32 $0x1180;
	s20 =	simm.s32 $0x1200  }
0x7: {  	s21 =	simm.s32 $0x1280;
	s22 =	simm.s32 $0x1300;
	s28 =	simm.s32 $0x1580  }
0x8: {  	s29 =	simm.s32 $0x1600;
	s30 =	simm.s32 $0x1680;
	s31 =	simm.s32 $0x1700  }
0x9: {  	s8 =	simm.s32 $0x4;
	s2 =	sand.u32 $0x1, s2;
	[smem:$0x7FF] =	sst s4  }
0xa: {  	s6 =	sshll.u32 s6, $0x1;
	s0 =	sadd.s32 $0x1200, s0;
	s5 =	ssub.s32 $0x2, s2  }
0xb: {  	_ =	strace $0x80000047;
	s2 =	sor.u32 s2, s6;
	[dreg:$0x4] =	wrdreg s0  }
0xc: {  	s7 =	sshrl.u32 s5, $0x1;
	s24 =	sshll.u32 s2, $0xD;
	s6 =	sshll.u32 s2, $0x10  }
0xd: {  	s23 =	ssub.s32 s5, s7;
	s1 =	sadd.s32 s1, s24;
	s7 =	sshll.u32 s2, $0x14  }
0xe: {  	s25 =	sor.u32 $0x1000, s6;
	s26 =	sor.u32 $0x1800, s6;
	s24 =	simm.s32 $0x1400  }
.Ltmp0:
0xf: {  	s5 =	simm.s32 $0x2;
	[dreg:$0x5] =	wrdreg s1;
	(pc) =	sbr.rel .LBB2_1-.Ltmp0, $4  }
0x10: {  	s2 =	simm.s32 $0x0;
	s1 =	sadd.s32 $0x100, s1;
	[dreg:$0x7] =	wrdreg s25  }
0x11: {  	s10 =	sor.u32 $0x8000, s7;
	[dreg:$0x8] =	wrdreg s26;
	s0 =	smax.u32 s23, $0x1  }
0x12: {  	s23 =	simm.s32 $0x1380;
	s25 =	simm.s32 $0x1480;
	[dreg:$0x6] =	wrdreg s1  }
0x13: {  	s26 =	simm.s32 $0x1500;
	[dreg:$0x9] =	wrdreg s0;
	s0 =	simm.s32 $0x1780  }
.LBB2_12:
0x14: {  	s1 =	simm.s32 $0x3  }
0x15: {  	_ =	swait.ge [sflag:s1], $0x8000  }
0x16: {  	[sflag:s1] =	ssyncset.done $0x0  }
0x17: {  	[sflag:s1] =	ssyncadd.s32 $0xFFFF8000  }
0x18: {  	_ =	swait.ge [sflag:s8], $0x8000  }
0x19: {  	s2 =	rddreg [dreg:$0xa]  }
0x1a: {  	s15 =	rddreg [dreg:$0x9];
	s2 =	sadd.s32 $0x1, s2  }
0x1b: {  	p0 =	sne.s32 s2, s15  }
.Ltmp1:
0x1c: {  	_ = 	snop;
	(pc) =	sbr.rel @!p0 .LBB2_13-.Ltmp1, $3  }
0x1d: {  	_ =	sdelay $0x1  }
0x1e: {  	[sflag:s8] =	ssyncset.done $0x0  }
0x1f: {  	[sflag:s8] =	ssyncadd.s32 $0xFFFF8000  }
.LBB2_1:
0x20: {  	[dreg:$0xa] =	wrdreg s2  }
0x21: {  	s1 =	rddreg [dreg:$0x4];
	s11 =	simm.s32 $0x5  }
0x22: {  	[tilespmem:s13], [sflag:$0x5] =	stream.linear.gather [hbm4b:s1+s4], $0x800, $0x38;
	[tilespmem:$0x11800] =	vst v63  }
0x23: {  	_ =	swait.ge [sflag:s11], $0x800  }
0x24: {  	[sflag:s11] =	ssyncset.done $0x0  }
0x25: {  	s12 =	rddreg [dreg:$0x5];
	[sflag:s11] =	ssyncadd.s32 $0xFFFFF800  }
0x26: {  	[tilespmem:s4], [sflag:$0x1] =	stream.linear.gather [hbm4b:s12+s4], $0x800, $0x38;
	[tilespmem:$0x11800] =	vst v63  }
0x27: {  	s15 =	simm.s32 $0x800;
	s6 =	simm.s32 $0x0;
	s14 =	rddreg [dreg:$0x6]  }
0x28: {  	[tilespmem:s15], [sflag:$0x2] =	stream.linear.gather [hbm4b:s14+s4], $0x800, $0x38;
	[tilespmem:$0x11800] =	vst v63  }
.LBB2_2:
0x29: {  	_ =	swait.ge [sflag:s16], $0x800  }
0x2a: {  	p0 =	seq.s32 s6, $0x0;
	[sflag:s16] =	ssyncset.done $0x0  }
0x2b: {  	s2 =	simm.s32 @!p0 $0x3;
	[sflag:s16] =	ssyncadd.s32 $0xFFFFF800  }
0x2c: {  	s9 =	simm.s32 $0x0;
	s12 =	simm.s32 $0x0;
	_ =	swait.ge @!p0 [sflag:s2], $0x8000  }
0x2d: {  	s9 =	sand.u32 $0x400, s9;
	s12 =	sand.u32 $0x3FFFFF80, s12;
	[sflag:s2] =	ssyncset.done @!p0 $0x0  }
0x2e: {  	s14 =	sadd.s32 s12, s9;
	[sflag:s2] =	ssyncadd.s32 @!p0 $0xFFFF8000  }
0x2f: {  	v7 =	vld [tilespmem:s14+$0x70]  }
0x30: {  	v6 =	vld [tilespmem:s14+$0x0]  }
0x31: {  	v5 =	vld [tilespmem:s14+$0x10]  }
0x32: {  	v4 =	vld [tilespmem:s14+$0x20]  }
0x33: {  	v3 =	vld [tilespmem:s14+$0x30]  }
0x34: {  	v2 =	vld [tilespmem:s14+$0x40]  }
0x35: {  	v1 =	vld [tilespmem:s14+$0x50]  }
0x36: {  	v0 =	vld [tilespmem:s14+$0x60]  }
0x37: {  	v8 =	vld.idx.msk [tilespmem:v7+s13+$0x0], $0xffff  }
0x38: {  	v9 =	vld.idx.msk [tilespmem:v6+s13+$0x0], $0xffff  }
0x39: {  	v10 =	vld.idx.msk [tilespmem:v5+s13+$0x0], $0xffff  }
0x3a: {  	s15 =	simm.s32 $0x0;
	v11 =	vld.idx.msk [tilespmem:v4+s13+$0x0], $0xffff  }
0x3b: {  	s2 =	sand.u32 $0x3FFFF000, s15;
	v12 =	vld.idx.msk [tilespmem:v3+s13+$0x0], $0xffff  }
0x3c: {  	s15 =	sor.u32 s9, s2;
	v13 =	vld.idx.msk [tilespmem:v2+s13+$0x0], $0xffff  }
0x3d: {  	v14 =	vld.idx.msk [tilespmem:v1+s13+$0x0], $0xffff;
	[tilespmem:s15+$0x1870] =	vst v8  }
0x3e: {  	[tilespmem:s15+$0x1800] =	vst v9;
	v9 =	vld.idx.msk [tilespmem:v0+s13+$0x0], $0xffff  }
0x3f: {  	[tilespmem:s15+$0x1810] =	vst v10;
	v8 =	vld.idx.msk [tilespmem:v7+s17+$0x0], $0xffff  }
0x40: {  	[tilespmem:s15+$0x1820] =	vst v11;
	v10 =	vld.idx.msk [tilespmem:v6+s17+$0x0], $0xffff  }
0x41: {  	[tilespmem:s15+$0x1830] =	vst v12;
	v11 =	vld.idx.msk [tilespmem:v5+s17+$0x0], $0xffff  }
0x42: {  	[tilespmem:s15+$0x1840] =	vst v13;
	v21 =	vld.idx.msk [tilespmem:v4+s17+$0x0], $0xffff  }
0x43: {  	[tilespmem:s15+$0x1850] =	vst v14;
	v22 =	vld.idx.msk [tilespmem:v3+s17+$0x0], $0xffff  }
0x44: {  	v23 =	vld.idx.msk [tilespmem:v2+s17+$0x0], $0xffff;
	[tilespmem:s15+$0x1860] =	vst v9  }
0x45: {  	v9 =	vld.idx.msk [tilespmem:v1+s17+$0x0], $0xffff;
	[tilespmem:s15+$0x18F0] =	vst v8  }
0x46: {  	[tilespmem:s15+$0x1880] =	vst v10;
	v10 =	vld.idx.msk [tilespmem:v0+s17+$0x0], $0xffff  }
0x47: {  	[tilespmem:s15+$0x1890] =	vst v11;
	v8 =	vld.idx.msk [tilespmem:v7+s18+$0x0], $0xffff  }
0x48: {  	[tilespmem:s15+$0x18A0] =	vst v21;
	v11 =	vld.idx.msk [tilespmem:v6+s18+$0x0], $0xffff  }
0x49: {  	[tilespmem:s15+$0x18B0] =	vst v22;
	v24 =	vld.idx.msk [tilespmem:v5+s18+$0x0], $0xffff  }
0x4a: {  	[tilespmem:s15+$0x18C0] =	vst v23;
	v25 =	vld.idx.msk [tilespmem:v4+s18+$0x0], $0xffff  }
0x4b: {  	v26 =	vld.idx.msk [tilespmem:v3+s18+$0x0], $0xffff;
	[tilespmem:s15+$0x18D0] =	vst v9  }
0x4c: {  	v9 =	vld.idx.msk [tilespmem:v2+s18+$0x0], $0xffff;
	[tilespmem:s15+$0x18E0] =	vst v10  }
0x4d: {  	v10 =	vld.idx.msk [tilespmem:v1+s18+$0x0], $0xffff;
	[tilespmem:s15+$0x1970] =	vst v8  }
0x4e: {  	[tilespmem:s15+$0x1900] =	vst v11;
	v11 =	vld.idx.msk [tilespmem:v0+s18+$0x0], $0xffff  }
0x4f: {  	[tilespmem:s15+$0x1910] =	vst v24;
	v8 =	vld.idx.msk [tilespmem:v7+s19+$0x0], $0xffff  }
0x50: {  	[tilespmem:s15+$0x1920] =	vst v25;
	v27 =	vld.idx.msk [tilespmem:v6+s19+$0x0], $0xffff  }
0x51: {  	[tilespmem:s15+$0x1930] =	vst v26;
	v28 =	vld.idx.msk [tilespmem:v5+s19+$0x0], $0xffff  }
0x52: {  	v29 =	vld.idx.msk [tilespmem:v4+s19+$0x0], $0xffff;
	[tilespmem:s15+$0x1940] =	vst v9  }
0x53: {  	v9 =	vld.idx.msk [tilespmem:v3+s19+$0x0], $0xffff;
	[tilespmem:s15+$0x1950] =	vst v10  }
0x54: {  	v10 =	vld.idx.msk [tilespmem:v2+s19+$0x0], $0xffff;
	[tilespmem:s15+$0x1960] =	vst v11  }
0x55: {  	v11 =	vld.idx.msk [tilespmem:v1+s19+$0x0], $0xffff;
	[tilespmem:s15+$0x19F0] =	vst v8  }
0x56: {  	[tilespmem:s15+$0x1980] =	vst v27;
	v30 =	vld.idx.msk [tilespmem:v0+s19+$0x0], $0xffff  }
0x57: {  	[tilespmem:s15+$0x1990] =	vst v28;
	v8 =	vld.idx.msk [tilespmem:v7+s20+$0x0], $0xffff  }
0x58: {  	[tilespmem:s15+$0x19A0] =	vst v29;
	v31 =	vld.idx.msk [tilespmem:v6+s20+$0x0], $0xffff  }
0x59: {  	v32 =	vld.idx.msk [tilespmem:v5+s20+$0x0], $0xffff;
	[tilespmem:s15+$0x19B0] =	vst v9  }
0x5a: {  	v9 =	vld.idx.msk [tilespmem:v4+s20+$0x0], $0xffff;
	[tilespmem:s15+$0x19C0] =	vst v10  }
0x5b: {  	v10 =	vld.idx.msk [tilespmem:v3+s20+$0x0], $0xffff;
	[tilespmem:s15+$0x19D0] =	vst v11  }
0x5c: {  	v11 =	vld.idx.msk [tilespmem:v2+s20+$0x0], $0xffff;
	[tilespmem:s15+$0x19E0] =	vst v30  }
0x5d: {  	v33 =	vld.idx.msk [tilespmem:v1+s20+$0x0], $0xffff;
	[tilespmem:s15+$0x1A70] =	vst v8  }
0x5e: {  	[tilespmem:s15+$0x1A00] =	vst v31;
	v34 =	vld.idx.msk [tilespmem:v0+s20+$0x0], $0xffff  }
0x5f: {  	[tilespmem:s15+$0x1A10] =	vst v32;
	v8 =	vld.idx.msk [tilespmem:v7+s21+$0x0], $0xffff  }
0x60: {  	v35 =	vld.idx.msk [tilespmem:v6+s21+$0x0], $0xffff;
	[tilespmem:s15+$0x1A20] =	vst v9  }
0x61: {  	v9 =	vld.idx.msk [tilespmem:v5+s21+$0x0], $0xffff;
	[tilespmem:s15+$0x1A30] =	vst v10  }
0x62: {  	v10 =	vld.idx.msk [tilespmem:v4+s21+$0x0], $0xffff;
	[tilespmem:s15+$0x1A40] =	vst v11  }
0x63: {  	v11 =	vld.idx.msk [tilespmem:v3+s21+$0x0], $0xffff;
	[tilespmem:s15+$0x1A50] =	vst v33  }
0x64: {  	v36 =	vld.idx.msk [tilespmem:v2+s21+$0x0], $0xffff;
	[tilespmem:s15+$0x1A60] =	vst v34  }
0x65: {  	v37 =	vld.idx.msk [tilespmem:v1+s21+$0x0], $0xffff;
	[tilespmem:s15+$0x1AF0] =	vst v8  }
0x66: {  	[tilespmem:s15+$0x1A80] =	vst v35;
	v38 =	vld.idx.msk [tilespmem:v0+s21+$0x0], $0xffff  }
0x67: {  	[tilespmem:s15+$0x1A90] =	vst v9;
	v8 =	vld.idx.msk [tilespmem:v7+s22+$0x0], $0xffff  }
0x68: {  	v9 =	vld.idx.msk [tilespmem:v6+s22+$0x0], $0xffff;
	[tilespmem:s15+$0x1AA0] =	vst v10  }
0x69: {  	v10 =	vld.idx.msk [tilespmem:v5+s22+$0x0], $0xffff;
	[tilespmem:s15+$0x1AB0] =	vst v11  }
0x6a: {  	v11 =	vld.idx.msk [tilespmem:v4+s22+$0x0], $0xffff;
	[tilespmem:s15+$0x1AC0] =	vst v36  }
0x6b: {  	v39 =	vld.idx.msk [tilespmem:v3+s22+$0x0], $0xffff;
	[tilespmem:s15+$0x1AD0] =	vst v37  }
0x6c: {  	v40 =	vld.idx.msk [tilespmem:v2+s22+$0x0], $0xffff;
	[tilespmem:s15+$0x1AE0] =	vst v38  }
0x6d: {  	v41 =	vld.idx.msk [tilespmem:v1+s22+$0x0], $0xffff;
	[tilespmem:s15+$0x1B70] =	vst v8  }
0x6e: {  	[tilespmem:s15+$0x1B00] =	vst v9;
	v9 =	vld.idx.msk [tilespmem:v0+s22+$0x0], $0xffff  }
0x6f: {  	[tilespmem:s15+$0x1B10] =	vst v10;
	v8 =	vld.idx.msk [tilespmem:v7+s23+$0x0], $0xffff  }
0x70: {  	v10 =	vld.idx.msk [tilespmem:v6+s23+$0x0], $0xffff;
	[tilespmem:s15+$0x1B20] =	vst v11  }
0x71: {  	v11 =	vld.idx.msk [tilespmem:v5+s23+$0x0], $0xffff;
	[tilespmem:s15+$0x1B30] =	vst v39  }
0x72: {  	v42 =	vld.idx.msk [tilespmem:v4+s23+$0x0], $0xffff;
	[tilespmem:s15+$0x1B40] =	vst v40  }
0x73: {  	v43 =	vld.idx.msk [tilespmem:v3+s23+$0x0], $0xffff;
	[tilespmem:s15+$0x1B50] =	vst v41  }
0x74: {  	v44 =	vld.idx.msk [tilespmem:v2+s23+$0x0], $0xffff;
	[tilespmem:s15+$0x1B60] =	vst v9  }
0x75: {  	v9 =	vld.idx.msk [tilespmem:v1+s23+$0x0], $0xffff;
	[tilespmem:s15+$0x1BF0] =	vst v8  }
0x76: {  	[tilespmem:s15+$0x1B80] =	vst v10;
	v10 =	vld.idx.msk [tilespmem:v0+s23+$0x0], $0xffff  }
0x77: {  	[tilespmem:s15+$0x1B90] =	vst v11;
	v8 =	vld.idx.msk [tilespmem:v7+s24+$0x0], $0xffff  }
0x78: {  	v11 =	vld.idx.msk [tilespmem:v6+s24+$0x0], $0xffff;
	[tilespmem:s15+$0x1BA0] =	vst v42  }
0x79: {  	v45 =	vld.idx.msk [tilespmem:v5+s24+$0x0], $0xffff;
	[tilespmem:s15+$0x1BB0] =	vst v43  }
0x7a: {  	v46 =	vld.idx.msk [tilespmem:v4+s24+$0x0], $0xffff;
	[tilespmem:s15+$0x1BC0] =	vst v44  }
0x7b: {  	v47 =	vld.idx.msk [tilespmem:v3+s24+$0x0], $0xffff;
	[tilespmem:s15+$0x1BD0] =	vst v9  }
0x7c: {  	v9 =	vld.idx.msk [tilespmem:v2+s24+$0x0], $0xffff;
	[tilespmem:s15+$0x1BE0] =	vst v10  }
0x7d: {  	v10 =	vld.idx.msk [tilespmem:v1+s24+$0x0], $0xffff;
	[tilespmem:s15+$0x2070] =	vst v8  }
0x7e: {  	[tilespmem:s15+$0x2000] =	vst v11;
	v11 =	vld.idx.msk [tilespmem:v0+s24+$0x0], $0xffff  }
0x7f: {  	[tilespmem:s15+$0x2010] =	vst v45;
	v8 =	vld.idx.msk [tilespmem:v7+s25+$0x0], $0xffff  }
0x80: {  	v48 =	vld.idx.msk [tilespmem:v6+s25+$0x0], $0xffff;
	[tilespmem:s15+$0x2020] =	vst v46  }
0x81: {  	v49 =	vld.idx.msk [tilespmem:v5+s25+$0x0], $0xffff;
	[tilespmem:s15+$0x2030] =	vst v47  }
0x82: {  	v50 =	vld.idx.msk [tilespmem:v4+s25+$0x0], $0xffff;
	[tilespmem:s15+$0x2040] =	vst v9  }
0x83: {  	v9 =	vld.idx.msk [tilespmem:v3+s25+$0x0], $0xffff;
	[tilespmem:s15+$0x2050] =	vst v10  }
0x84: {  	v10 =	vld.idx.msk [tilespmem:v2+s25+$0x0], $0xffff;
	[tilespmem:s15+$0x2060] =	vst v11  }
0x85: {  	v11 =	vld.idx.msk [tilespmem:v1+s25+$0x0], $0xffff;
	[tilespmem:s15+$0x20F0] =	vst v8  }
0x86: {  	[tilespmem:s15+$0x2080] =	vst v48;
	v8 =	vld.idx.msk [tilespmem:v7+s26+$0x0], $0xffff  }
0x87: {  	[tilespmem:s15+$0x2090] =	vst v49;
	v51 =	vld.idx.msk [tilespmem:v0+s25+$0x0], $0xffff  }
0x88: {  	v52 =	vld.idx.msk [tilespmem:v6+s26+$0x0], $0xffff;
	[tilespmem:s15+$0x20A0] =	vst v50  }
0x89: {  	v53 =	vld.idx.msk [tilespmem:v5+s26+$0x0], $0xffff;
	[tilespmem:s15+$0x20B0] =	vst v9  }
0x8a: {  	v9 =	vld.idx.msk [tilespmem:v4+s26+$0x0], $0xffff;
	[tilespmem:s15+$0x20C0] =	vst v10  }
0x8b: {  	v10 =	vld.idx.msk [tilespmem:v3+s26+$0x0], $0xffff;
	[tilespmem:s15+$0x2170] =	vst v8  }
0x8c: {  	[tilespmem:s15+$0x20D0] =	vst v11;
	v8 =	vld.idx.msk [tilespmem:v7+s28+$0x0], $0xffff  }
0x8d: {  	v11 =	vld.idx.msk [tilespmem:v2+s26+$0x0], $0xffff;
	[tilespmem:s15+$0x20E0] =	vst v51  }
0x8e: {  	v54 =	vld.idx.msk [tilespmem:v1+s26+$0x0], $0xffff;
	[tilespmem:s15+$0x2100] =	vst v52  }
0x8f: {  	[tilespmem:s15+$0x2110] =	vst v53;
	v55 =	vld.idx.msk [tilespmem:v0+s26+$0x0], $0xffff  }
0x90: {  	v56 =	vld.idx.msk [tilespmem:v6+s28+$0x0], $0xffff;
	[tilespmem:s15+$0x2120] =	vst v9  }
0x91: {  	v9 =	vld.idx.msk [tilespmem:v5+s28+$0x0], $0xffff;
	[tilespmem:s15+$0x21F0] =	vst v8  }
0x92: {  	[tilespmem:s15+$0x2130] =	vst v10;
	v8 =	vld.idx.msk [tilespmem:v7+s29+$0x0], $0xffff  }
0x93: {  	v10 =	vld.idx.msk [tilespmem:v4+s28+$0x0], $0xffff;
	[tilespmem:s15+$0x2140] =	vst v11  }
0x94: {  	v11 =	vld.idx.msk [tilespmem:v3+s28+$0x0], $0xffff;
	[tilespmem:s15+$0x2150] =	vst v54  }
0x95: {  	v57 =	vld.idx.msk [tilespmem:v2+s28+$0x0], $0xffff;
	[tilespmem:s15+$0x2160] =	vst v55  }
0x96: {  	v58 =	vld.idx.msk [tilespmem:v1+s28+$0x0], $0xffff;
	[tilespmem:s15+$0x2180] =	vst v56  }
0x97: {  	v59 =	vld.idx.msk [tilespmem:v0+s28+$0x0], $0xffff;
	[tilespmem:s15+$0x2270] =	vst v8  }
0x98: {  	[tilespmem:s15+$0x2190] =	vst v9;
	v8 =	vld.idx.msk [tilespmem:v7+s30+$0x0], $0xffff  }
0x99: {  	v9 =	vld.idx.msk [tilespmem:v6+s29+$0x0], $0xffff;
	[tilespmem:s15+$0x21A0] =	vst v10  }
0x9a: {  	v10 =	vld.idx.msk [tilespmem:v5+s29+$0x0], $0xffff;
	[tilespmem:s15+$0x21B0] =	vst v11  }
0x9b: {  	v11 =	vld.idx.msk [tilespmem:v4+s29+$0x0], $0xffff;
	[tilespmem:s15+$0x21C0] =	vst v57  }
0x9c: {  	v60 =	vld.idx.msk [tilespmem:v3+s29+$0x0], $0xffff;
	[tilespmem:s15+$0x21D0] =	vst v58  }
0x9d: {  	v61 =	vld.idx.msk [tilespmem:v2+s29+$0x0], $0xffff;
	[tilespmem:s15+$0x22F0] =	vst v8  }
0x9e: {  	[tilespmem:s15+$0x21E0] =	vst v59;
	v8 =	vld.idx.msk [tilespmem:v7+s31+$0x0], $0xffff  }
0x9f: {  	v62 =	vld.idx.msk [tilespmem:v1+s29+$0x0], $0xffff;
	[tilespmem:s15+$0x2200] =	vst v9  }
0xa0: {  	[tilespmem:s15+$0x2210] =	vst v10;
	v9 =	vld.idx.msk [tilespmem:v6+s30+$0x0], $0xffff  }
0xa1: {  	[tilespmem:s15+$0x2220] =	vst v11;
	v10 =	vld.idx.msk [tilespmem:v5+s30+$0x0], $0xffff  }
0xa2: {  	[tilespmem:s15+$0x2230] =	vst v60;
	v11 =	vld.idx.msk [tilespmem:v4+s30+$0x0], $0xffff  }
0xa3: {  	[tilespmem:s15+$0x2370] =	vst v8;
	v8 =	vld.idx.msk [tilespmem:v0+s29+$0x0], $0xffff  }
0xa4: {  	[tilespmem:s15+$0x2240] =	vst v61;
	v7 =	vld.idx.msk [tilespmem:v7+s0+$0x0], $0xffff  }
0xa5: {  	v12 =	vld.idx.msk [tilespmem:v3+s30+$0x0], $0xffff;
	[tilespmem:s15+$0x2250] =	vst v62  }
0xa6: {  	v13 =	vld.idx.msk [tilespmem:v2+s30+$0x0], $0xffff;
	[tilespmem:s15+$0x2280] =	vst v9  }
0xa7: {  	[tilespmem:s15+$0x2290] =	vst v10;
	v63 =	vld.idx.msk [tilespmem:v6+s31+$0x0], $0xffff  }
0xa8: {  	v15 =	vld.idx.msk [tilespmem:v5+s31+$0x0], $0xffff;
	[tilespmem:s15+$0x2260] =	vst v8  }
0xa9: {  	[tilespmem:s15+$0x23F0] =	vst v7;
	v7 =	vld.idx.msk [tilespmem:v1+s30+$0x0], $0xffff  }
0xaa: {  	[tilespmem:s15+$0x22A0] =	vst v11;
	v9 =	vld.idx.msk [tilespmem:v0+s30+$0x0], $0xffff  }
0xab: {  	v11 =	vld.idx.msk [tilespmem:v4+s31+$0x0], $0xffff;
	[tilespmem:s15+$0x22B0] =	vst v12  }
0xac: {  	v12 =	vld.idx.msk [tilespmem:v3+s31+$0x0], $0xffff;
	[tilespmem:s15+$0x22C0] =	vst v13  }
0xad: {  	v10 =	vld.idx.msk [tilespmem:v2+s31+$0x0], $0xffff;
	[tilespmem:s15+$0x2310] =	vst v15  }
0xae: {  	v5 =	vld.idx.msk [tilespmem:v5+s0+$0x0], $0xffff;
	[tilespmem:s15+$0x22D0] =	vst v7  }
0xaf: {  	[tilespmem:s15+$0x22E0] =	vst v9;
	v8 =	vld.idx.msk [tilespmem:v1+s31+$0x0], $0xffff  }
0xb0: {  	[tilespmem:s15+$0x2300] =	vst v63;
	v9 =	vld.idx.msk [tilespmem:v0+s31+$0x0], $0xffff  }
0xb1: {  	[tilespmem:s15+$0x2320] =	vst v11;
	v7 =	vld.idx.msk [tilespmem:v6+s0+$0x0], $0xffff  }
0xb2: {  	s14 =	sshll.u32 s6, $0xC;
	s9 =	simm.s32 $0x0;
	s2 =	simm.s32 $0x0;
	[tilespmem:s15+$0x2330] =	vst v12;
	v6 =	vld.idx.msk [tilespmem:v4+s0+$0x0], $0xffff  }
.LBB2_3:
0xb3: {  	s2 =	sadd.s32 $0x8, s2;
	v3 =	vld.idx.msk [tilespmem:v3+s0+$0x0], $0xffff;
	[tilespmem:s15+$0x2340] =	vst v10;
	s9 =	sadd.s32 $0x1000, s9  }
0xb4: {  	s12 =	sshrl.u32 s9, $0x2;
	s1 =	sshll.u32 s2, $0x3;
	p1 =	slt.u32 s2, $0x78;
	v2 =	vld.idx.msk [tilespmem:v2+s0+$0x0], $0xffff;
	[tilespmem:s15+$0x2350] =	vst v8  }
0xb5: {  	s12 =	sand.u32 $0x400, s12;
	s1 =	sand.u32 $0x3FFFFF80, s1;
	v1 =	vld.idx.msk [tilespmem:v1+s0+$0x0], $0xffff;
	[tilespmem:s15+$0x2360] =	vst v9  }
0xb6: {  	s1 =	sadd.s32 s1, s12;
	[tilespmem:s15+$0x2380] =	vst v7;
	v0 =	vld.idx.msk [tilespmem:v0+s0+$0x0], $0xffff  }
0xb7: {  	v7 =	vld [tilespmem:s1+$0x70];
	[tilespmem:s15+$0x2390] =	vst v5  }
0xb8: {  	v4 =	vld [tilespmem:s1+$0x0];
	[tilespmem:s15+$0x23A0] =	vst v6  }
0xb9: {  	v5 =	vld [tilespmem:s1+$0x10];
	[tilespmem:s15+$0x23B0] =	vst v3  }
0xba: {  	v6 =	vld [tilespmem:s1+$0x20];
	[tilespmem:s15+$0x23C0] =	vst v2  }
0xbb: {  	v3 =	vld [tilespmem:s1+$0x30];
	[tilespmem:s15+$0x23D0] =	vst v1  }
0xbc: {  	v2 =	vld [tilespmem:s1+$0x40];
	[tilespmem:s15+$0x23E0] =	vst v0  }
0xbd: {  	v1 =	vld [tilespmem:s1+$0x50]  }
0xbe: {  	v0 =	vld [tilespmem:s1+$0x60]  }
0xbf: {  	v8 =	vld.idx.msk [tilespmem:v7+s13+$0x0], $0xffff  }
0xc0: {  	v9 =	vld.idx.msk [tilespmem:v4+s13+$0x0], $0xffff  }
0xc1: {  	v10 =	vld.idx.msk [tilespmem:v5+s13+$0x0], $0xffff  }
0xc2: {  	s1 =	sshll.u32 s2, $0x8;
	v11 =	vld.idx.msk [tilespmem:v6+s13+$0x0], $0xffff  }
0xc3: {  	s1 =	sand.u32 $0x3FFFF000, s1;
	v12 =	vld.idx.msk [tilespmem:v3+s13+$0x0], $0xffff  }
0xc4: {  	s15 =	sor.u32 s12, s1;
	v13 =	vld.idx.msk [tilespmem:v2+s13+$0x0], $0xffff  }
0xc5: {  	v14 =	vld.idx.msk [tilespmem:v1+s13+$0x0], $0xffff;
	[tilespmem:s15+$0x1870] =	vst v8  }
0xc6: {  	[tilespmem:s15+$0x1800] =	vst v9;
	v8 =	vld.idx.msk [tilespmem:v7+s17+$0x0], $0xffff  }
0xc7: {  	[tilespmem:s15+$0x1810] =	vst v10;
	v9 =	vld.idx.msk [tilespmem:v0+s13+$0x0], $0xffff  }
0xc8: {  	v10 =	vld.idx.msk [tilespmem:v4+s17+$0x0], $0xffff;
	[tilespmem:s15+$0x1820] =	vst v11  }
0xc9: {  	v11 =	vld.idx.msk [tilespmem:v5+s17+$0x0], $0xffff;
	[tilespmem:s15+$0x1830] =	vst v12  }
0xca: {  	v12 =	vld.idx.msk [tilespmem:v6+s17+$0x0], $0xffff;
	[tilespmem:s15+$0x1840] =	vst v13  }
0xcb: {  	v13 =	vld.idx.msk [tilespmem:v3+s17+$0x0], $0xffff;
	[tilespmem:s15+$0x1850] =	vst v14  }
0xcc: {  	v14 =	vld.idx.msk [tilespmem:v2+s17+$0x0], $0xffff;
	[tilespmem:s15+$0x18F0] =	vst v8  }
0xcd: {  	[tilespmem:s15+$0x1860] =	vst v9;
	v8 =	vld.idx.msk [tilespmem:v7+s18+$0x0], $0xffff  }
0xce: {  	[tilespmem:s15+$0x1880] =	vst v10;
	v9 =	vld.idx.msk [tilespmem:v1+s17+$0x0], $0xffff  }
0xcf: {  	[tilespmem:s15+$0x1890] =	vst v11;
	v10 =	vld.idx.msk [tilespmem:v0+s17+$0x0], $0xffff  }
0xd0: {  	v11 =	vld.idx.msk [tilespmem:v4+s18+$0x0], $0xffff;
	[tilespmem:s15+$0x18A0] =	vst v12  }
0xd1: {  	v12 =	vld.idx.msk [tilespmem:v5+s18+$0x0], $0xffff;
	[tilespmem:s15+$0x18B0] =	vst v13  }
0xd2: {  	v13 =	vld.idx.msk [tilespmem:v6+s18+$0x0], $0xffff;
	[tilespmem:s15+$0x18C0] =	vst v14  }
0xd3: {  	v14 =	vld.idx.msk [tilespmem:v3+s18+$0x0], $0xffff;
	[tilespmem:s15+$0x1970] =	vst v8  }
0xd4: {  	[tilespmem:s15+$0x18D0] =	vst v9;
	v8 =	vld.idx.msk [tilespmem:v7+s19+$0x0], $0xffff  }
0xd5: {  	v9 =	vld.idx.msk [tilespmem:v2+s18+$0x0], $0xffff;
	[tilespmem:s15+$0x18E0] =	vst v10  }
0xd6: {  	[tilespmem:s15+$0x1900] =	vst v11;
	v10 =	vld.idx.msk [tilespmem:v1+s18+$0x0], $0xffff  }
0xd7: {  	[tilespmem:s15+$0x1910] =	vst v12;
	v11 =	vld.idx.msk [tilespmem:v0+s18+$0x0], $0xffff  }
0xd8: {  	v12 =	vld.idx.msk [tilespmem:v4+s19+$0x0], $0xffff;
	[tilespmem:s15+$0x1920] =	vst v13  }
0xd9: {  	v13 =	vld.idx.msk [tilespmem:v5+s19+$0x0], $0xffff;
	[tilespmem:s15+$0x1930] =	vst v14  }
0xda: {  	v14 =	vld.idx.msk [tilespmem:v6+s19+$0x0], $0xffff;
	[tilespmem:s15+$0x19F0] =	vst v8  }
0xdb: {  	[tilespmem:s15+$0x1940] =	vst v9;
	v8 =	vld.idx.msk [tilespmem:v7+s20+$0x0], $0xffff  }
0xdc: {  	v9 =	vld.idx.msk [tilespmem:v3+s19+$0x0], $0xffff;
	[tilespmem:s15+$0x1950] =	vst v10  }
0xdd: {  	v10 =	vld.idx.msk [tilespmem:v2+s19+$0x0], $0xffff;
	[tilespmem:s15+$0x1960] =	vst v11  }
0xde: {  	[tilespmem:s15+$0x1980] =	vst v12;
	v11 =	vld.idx.msk [tilespmem:v1+s19+$0x0], $0xffff  }
0xdf: {  	[tilespmem:s15+$0x1990] =	vst v13;
	v12 =	vld.idx.msk [tilespmem:v0+s19+$0x0], $0xffff  }
0xe0: {  	v13 =	vld.idx.msk [tilespmem:v4+s20+$0x0], $0xffff;
	[tilespmem:s15+$0x19A0] =	vst v14  }
0xe1: {  	v14 =	vld.idx.msk [tilespmem:v5+s20+$0x0], $0xffff;
	[tilespmem:s15+$0x1A70] =	vst v8  }
0xe2: {  	[tilespmem:s15+$0x19B0] =	vst v9;
	v8 =	vld.idx.msk [tilespmem:v7+s21+$0x0], $0xffff  }
0xe3: {  	v9 =	vld.idx.msk [tilespmem:v6+s20+$0x0], $0xffff;
	[tilespmem:s15+$0x19C0] =	vst v10  }
0xe4: {  	v10 =	vld.idx.msk [tilespmem:v3+s20+$0x0], $0xffff;
	[tilespmem:s15+$0x19D0] =	vst v11  }
0xe5: {  	v11 =	vld.idx.msk [tilespmem:v2+s20+$0x0], $0xffff;
	[tilespmem:s15+$0x19E0] =	vst v12  }
0xe6: {  	[tilespmem:s15+$0x1A00] =	vst v13;
	v12 =	vld.idx.msk [tilespmem:v1+s20+$0x0], $0xffff  }
0xe7: {  	[tilespmem:s15+$0x1A10] =	vst v14;
	v13 =	vld.idx.msk [tilespmem:v0+s20+$0x0], $0xffff  }
0xe8: {  	v14 =	vld.idx.msk [tilespmem:v4+s21+$0x0], $0xffff;
	[tilespmem:s15+$0x1AF0] =	vst v8  }
0xe9: {  	[tilespmem:s15+$0x1A20] =	vst v9;
	v8 =	vld.idx.msk [tilespmem:v7+s22+$0x0], $0xffff  }
0xea: {  	v9 =	vld.idx.msk [tilespmem:v5+s21+$0x0], $0xffff;
	[tilespmem:s15+$0x1A30] =	vst v10  }
0xeb: {  	v10 =	vld.idx.msk [tilespmem:v6+s21+$0x0], $0xffff;
	[tilespmem:s15+$0x1A40] =	vst v11  }
0xec: {  	v11 =	vld.idx.msk [tilespmem:v3+s21+$0x0], $0xffff;
	[tilespmem:s15+$0x1A50] =	vst v12  }
0xed: {  	v12 =	vld.idx.msk [tilespmem:v2+s21+$0x0], $0xffff;
	[tilespmem:s15+$0x1A60] =	vst v13  }
0xee: {  	[tilespmem:s15+$0x1A80] =	vst v14;
	v13 =	vld.idx.msk [tilespmem:v1+s21+$0x0], $0xffff  }
0xef: {  	v14 =	vld.idx.msk [tilespmem:v0+s21+$0x0], $0xffff;
	[tilespmem:s15+$0x1B70] =	vst v8  }
0xf0: {  	[tilespmem:s15+$0x1A90] =	vst v9;
	v8 =	vld.idx.msk [tilespmem:v7+s23+$0x0], $0xffff  }
0xf1: {  	v9 =	vld.idx.msk [tilespmem:v4+s22+$0x0], $0xffff;
	[tilespmem:s15+$0x1AA0] =	vst v10  }
0xf2: {  	v10 =	vld.idx.msk [tilespmem:v5+s22+$0x0], $0xffff;
	[tilespmem:s15+$0x1AB0] =	vst v11  }
0xf3: {  	v11 =	vld.idx.msk [tilespmem:v6+s22+$0x0], $0xffff;
	[tilespmem:s15+$0x1AC0] =	vst v12  }
0xf4: {  	v12 =	vld.idx.msk [tilespmem:v3+s22+$0x0], $0xffff;
	[tilespmem:s15+$0x1AD0] =	vst v13  }
0xf5: {  	v13 =	vld.idx.msk [tilespmem:v2+s22+$0x0], $0xffff;
	[tilespmem:s15+$0x1AE0] =	vst v14  }
0xf6: {  	v14 =	vld.idx.msk [tilespmem:v1+s22+$0x0], $0xffff;
	[tilespmem:s15+$0x1BF0] =	vst v8  }
0xf7: {  	[tilespmem:s15+$0x1B00] =	vst v9;
	v8 =	vld.idx.msk [tilespmem:v7+s24+$0x0], $0xffff  }
0xf8: {  	[tilespmem:s15+$0x1B10] =	vst v10;
	v9 =	vld.idx.msk [tilespmem:v0+s22+$0x0], $0xffff  }
0xf9: {  	v10 =	vld.idx.msk [tilespmem:v4+s23+$0x0], $0xffff;
	[tilespmem:s15+$0x1B20] =	vst v11  }
0xfa: {  	v11 =	vld.idx.msk [tilespmem:v5+s23+$0x0], $0xffff;
	[tilespmem:s15+$0x1B30] =	vst v12  }
0xfb: {  	v12 =	vld.idx.msk [tilespmem:v6+s23+$0x0], $0xffff;
	[tilespmem:s15+$0x1B40] =	vst v13  }
0xfc: {  	v13 =	vld.idx.msk [tilespmem:v3+s23+$0x0], $0xffff;
	[tilespmem:s15+$0x1B50] =	vst v14  }
0xfd: {  	v14 =	vld.idx.msk [tilespmem:v2+s23+$0x0], $0xffff;
	[tilespmem:s15+$0x2070] =	vst v8  }
0xfe: {  	[tilespmem:s15+$0x1B60] =	vst v9;
	v8 =	vld.idx.msk [tilespmem:v7+s25+$0x0], $0xffff  }
0xff: {  	[tilespmem:s15+$0x1B80] =	vst v10;
	v9 =	vld.idx.msk [tilespmem:v1+s23+$0x0], $0xffff  }
0x100: {  	[tilespmem:s15+$0x1B90] =	vst v11;
	v10 =	vld.idx.msk [tilespmem:v0+s23+$0x0], $0xffff  }
0x101: {  	v11 =	vld.idx.msk [tilespmem:v4+s24+$0x0], $0xffff;
	[tilespmem:s15+$0x1BA0] =	vst v12  }
0x102: {  	v12 =	vld.idx.msk [tilespmem:v5+s24+$0x0], $0xffff;
	[tilespmem:s15+$0x1BB0] =	vst v13  }
0x103: {  	v13 =	vld.idx.msk [tilespmem:v6+s24+$0x0], $0xffff;
	[tilespmem:s15+$0x1BC0] =	vst v14  }
0x104: {  	v14 =	vld.idx.msk [tilespmem:v3+s24+$0x0], $0xffff;
	[tilespmem:s15+$0x20F0] =	vst v8  }
0x105: {  	[tilespmem:s15+$0x1BD0] =	vst v9;
	v8 =	vld.idx.msk [tilespmem:v7+s26+$0x0], $0xffff  }
0x106: {  	v9 =	vld.idx.msk [tilespmem:v2+s24+$0x0], $0xffff;
	[tilespmem:s15+$0x1BE0] =	vst v10  }
0x107: {  	[tilespmem:s15+$0x2000] =	vst v11;
	v10 =	vld.idx.msk [tilespmem:v1+s24+$0x0], $0xffff  }
0x108: {  	[tilespmem:s15+$0x2010] =	vst v12;
	v11 =	vld.idx.msk [tilespmem:v0+s24+$0x0], $0xffff  }
0x109: {  	v12 =	vld.idx.msk [tilespmem:v4+s25+$0x0], $0xffff;
	[tilespmem:s15+$0x2020] =	vst v13  }
0x10a: {  	v13 =	vld.idx.msk [tilespmem:v5+s25+$0x0], $0xffff;
	[tilespmem:s15+$0x2030] =	vst v14  }
0x10b: {  	v14 =	vld.idx.msk [tilespmem:v6+s25+$0x0], $0xffff;
	[tilespmem:s15+$0x2170] =	vst v8  }
0x10c: {  	[tilespmem:s15+$0x2040] =	vst v9;
	v8 =	vld.idx.msk [tilespmem:v7+s28+$0x0], $0xffff  }
0x10d: {  	v9 =	vld.idx.msk [tilespmem:v3+s25+$0x0], $0xffff;
	[tilespmem:s15+$0x2050] =	vst v10  }
0x10e: {  	v10 =	vld.idx.msk [tilespmem:v2+s25+$0x0], $0xffff;
	[tilespmem:s15+$0x2060] =	vst v11  }
0x10f: {  	[tilespmem:s15+$0x2080] =	vst v12;
	v11 =	vld.idx.msk [tilespmem:v1+s25+$0x0], $0xffff  }
0x110: {  	[tilespmem:s15+$0x2090] =	vst v13;
	v12 =	vld.idx.msk [tilespmem:v0+s25+$0x0], $0xffff  }
0x111: {  	v13 =	vld.idx.msk [tilespmem:v4+s26+$0x0], $0xffff;
	[tilespmem:s15+$0x20A0] =	vst v14  }
0x112: {  	v14 =	vld.idx.msk [tilespmem:v5+s26+$0x0], $0xffff;
	[tilespmem:s15+$0x21F0] =	vst v8  }
0x113: {  	[tilespmem:s15+$0x20B0] =	vst v9;
	v8 =	vld.idx.msk [tilespmem:v7+s29+$0x0], $0xffff  }
0x114: {  	v9 =	vld.idx.msk [tilespmem:v6+s26+$0x0], $0xffff;
	[tilespmem:s15+$0x20C0] =	vst v10  }
0x115: {  	v10 =	vld.idx.msk [tilespmem:v3+s26+$0x0], $0xffff;
	[tilespmem:s15+$0x20D0] =	vst v11  }
0x116: {  	v11 =	vld.idx.msk [tilespmem:v2+s26+$0x0], $0xffff;
	[tilespmem:s15+$0x20E0] =	vst v12  }
0x117: {  	[tilespmem:s15+$0x2100] =	vst v13;
	v12 =	vld.idx.msk [tilespmem:v1+s26+$0x0], $0xffff  }
0x118: {  	[tilespmem:s15+$0x2110] =	vst v14;
	v13 =	vld.idx.msk [tilespmem:v0+s26+$0x0], $0xffff  }
0x119: {  	v14 =	vld.idx.msk [tilespmem:v4+s28+$0x0], $0xffff;
	[tilespmem:s15+$0x2270] =	vst v8  }
0x11a: {  	[tilespmem:s15+$0x2120] =	vst v9;
	v8 =	vld.idx.msk [tilespmem:v7+s30+$0x0], $0xffff  }
0x11b: {  	v9 =	vld.idx.msk [tilespmem:v5+s28+$0x0], $0xffff;
	[tilespmem:s15+$0x2130] =	vst v10  }
0x11c: {  	v10 =	vld.idx.msk [tilespmem:v6+s28+$0x0], $0xffff;
	[tilespmem:s15+$0x2140] =	vst v11  }
0x11d: {  	v11 =	vld.idx.msk [tilespmem:v3+s28+$0x0], $0xffff;
	[tilespmem:s15+$0x2150] =	vst v12  }
0x11e: {  	v12 =	vld.idx.msk [tilespmem:v2+s28+$0x0], $0xffff;
	[tilespmem:s15+$0x2160] =	vst v13  }
0x11f: {  	[tilespmem:s15+$0x2180] =	vst v14;
	v13 =	vld.idx.msk [tilespmem:v1+s28+$0x0], $0xffff  }
0x120: {  	v14 =	vld.idx.msk [tilespmem:v0+s28+$0x0], $0xffff;
	[tilespmem:s15+$0x22F0] =	vst v8  }
0x121: {  	[tilespmem:s15+$0x2190] =	vst v9;
	v8 =	vld.idx.msk [tilespmem:v7+s31+$0x0], $0xffff  }
0x122: {  	v9 =	vld.idx.msk [tilespmem:v4+s29+$0x0], $0xffff;
	[tilespmem:s15+$0x21A0] =	vst v10  }
0x123: {  	v10 =	vld.idx.msk [tilespmem:v5+s29+$0x0], $0xffff;
	[tilespmem:s15+$0x21B0] =	vst v11  }
0x124: {  	v11 =	vld.idx.msk [tilespmem:v6+s29+$0x0], $0xffff;
	[tilespmem:s15+$0x21C0] =	vst v12  }
0x125: {  	v12 =	vld.idx.msk [tilespmem:v3+s29+$0x0], $0xffff;
	[tilespmem:s15+$0x21D0] =	vst v13  }
0x126: {  	v13 =	vld.idx.msk [tilespmem:v2+s29+$0x0], $0xffff;
	[tilespmem:s15+$0x21E0] =	vst v14  }
0x127: {  	v14 =	vld.idx.msk [tilespmem:v1+s29+$0x0], $0xffff;
	[tilespmem:s15+$0x2370] =	vst v8  }
0x128: {  	[tilespmem:s15+$0x2200] =	vst v9;
	v7 =	vld.idx.msk [tilespmem:v7+s0+$0x0], $0xffff  }
0x129: {  	[tilespmem:s15+$0x2210] =	vst v10;
	v8 =	vld.idx.msk [tilespmem:v0+s29+$0x0], $0xffff  }
0x12a: {  	v9 =	vld.idx.msk [tilespmem:v4+s30+$0x0], $0xffff;
	[tilespmem:s15+$0x2220] =	vst v11  }
0x12b: {  	v10 =	vld.idx.msk [tilespmem:v5+s30+$0x0], $0xffff;
	[tilespmem:s15+$0x2230] =	vst v12  }
0x12c: {  	v11 =	vld.idx.msk [tilespmem:v6+s30+$0x0], $0xffff;
	[tilespmem:s15+$0x2240] =	vst v13  }
0x12d: {  	v12 =	vld.idx.msk [tilespmem:v3+s30+$0x0], $0xffff;
	[tilespmem:s15+$0x2250] =	vst v14  }
0x12e: {  	v13 =	vld.idx.msk [tilespmem:v2+s30+$0x0], $0xffff;
	[tilespmem:s15+$0x23F0] =	vst v7  }
0x12f: {  	v7 =	vld.idx.msk [tilespmem:v1+s30+$0x0], $0xffff;
	[tilespmem:s15+$0x2260] =	vst v8  }
0x130: {  	[tilespmem:s15+$0x2280] =	vst v9;
	v9 =	vld.idx.msk [tilespmem:v0+s30+$0x0], $0xffff  }
0x131: {  	v14 =	vld.idx.msk [tilespmem:v4+s31+$0x0], $0xffff;
	[tilespmem:s15+$0x2290] =	vst v10  }
0x132: {  	v15 =	vld.idx.msk [tilespmem:v5+s31+$0x0], $0xffff;
	[tilespmem:s15+$0x22A0] =	vst v11  }
0x133: {  	v11 =	vld.idx.msk [tilespmem:v6+s31+$0x0], $0xffff;
	[tilespmem:s15+$0x22B0] =	vst v12  }
0x134: {  	v12 =	vld.idx.msk [tilespmem:v3+s31+$0x0], $0xffff;
	[tilespmem:s15+$0x22C0] =	vst v13  }
0x135: {  	v10 =	vld.idx.msk [tilespmem:v2+s31+$0x0], $0xffff;
	[tilespmem:s15+$0x22D0] =	vst v7  }
.Ltmp2:
0x136: {  	v8 =	vld.idx.msk [tilespmem:v1+s31+$0x0], $0xffff;
	[tilespmem:s15+$0x22E0] =	vst v9;
	(pc) =	sbr.rel @p1 .LBB2_3-.Ltmp2, $4  }
0x137: {  	[tilespmem:s15+$0x2300] =	vst v14;
	v9 =	vld.idx.msk [tilespmem:v0+s31+$0x0], $0xffff  }
0x138: {  	v7 =	vld.idx.msk [tilespmem:v4+s0+$0x0], $0xffff;
	[tilespmem:s15+$0x2310] =	vst v15  }
0x139: {  	v5 =	vld.idx.msk [tilespmem:v5+s0+$0x0], $0xffff;
	[tilespmem:s15+$0x2320] =	vst v11  }
0x13a: {  	v6 =	vld.idx.msk [tilespmem:v6+s0+$0x0], $0xffff;
	[tilespmem:s15+$0x2330] =	vst v12  }
0x13b: {  	_ =	sdelay $0x2  }
0x13c: {  	[tilespmem:s15+$0x2340] =	vst v10  }
0x13d: {  	v3 =	vld.idx.msk [tilespmem:v3+s0+$0x0], $0xffff;
	[tilespmem:s15+$0x2350] =	vst v8  }
0x13e: {  	v2 =	vld.idx.msk [tilespmem:v2+s0+$0x0], $0xffff;
	[tilespmem:s15+$0x2360] =	vst v9  }
0x13f: {  	v1 =	vld.idx.msk [tilespmem:v1+s0+$0x0], $0xffff;
	[tilespmem:s15+$0x2380] =	vst v7  }
0x140: {  	v0 =	vld.idx.msk [tilespmem:v0+s0+$0x0], $0xffff;
	[tilespmem:s15+$0x2390] =	vst v5  }
0x141: {  	p1 =	sne.s32 s6, $0xF;
	[tilespmem:s15+$0x23A0] =	vst v6  }
.Ltmp3:
0x142: {  	s9 =	sshll.u32 s6, $0x10;
	[tilespmem:s15+$0x23B0] =	vst v3;
	(pc) =	sbr.rel @p1 .LBB2_6-.Ltmp3, $4  }
0x143: {  	s1 =	sor.u32 s7, s9;
	[tilespmem:s15+$0x23C0] =	vst v2  }
0x144: {  	s1 =	sshrl.u32 s1, $0x3;
	[tilespmem:s15+$0x23D0] =	vst v1  }
0x145: {  	s2 =	simm.s32 $0x1800;
	s1 =	sadd.s32 s3, s1;
	[tilespmem:s15+$0x23E0] =	vst v0  }
0x146: {  	[hbm4b:s1+s4] =	stream.linear.scatter [tilespmem:s2], [sflag:$0x3], $0x8000, $0x38;
	[tilespmem:$0x11800] =	vst v63  }
.Ltmp4:
0x147: {  	(pc) =	sbr.rel .LBB2_7-.Ltmp4, $4  }
0x148: {  	_ = 	snop  }
0x149: {  	_ =	swait.ge [sflag:s5], $0x800  }
0x14a: {  	[sflag:s5] =	ssyncset.done $0x0  }
0x14b: {  	[sflag:s5] =	ssyncadd.s32 $0xFFFFF800  }
.LBB2_6:
0x14c: {  	s1 =	rddreg [dreg:$0x7]  }
0x14d: {  	s1 =	sadd.s32 s14, s1  }
0x14e: {  	s2 =	rddreg [dreg:$0x0];
	s1 =	sshrl.u32 s1, $0x3  }
.Ltmp5:
0x14f: {  	s1 =	sadd.s32 s2, s1;
	(pc) =	sbr.rel @p0 .LBB2_8-.Ltmp5, $4  }
0x150: {  	[tilespmem:s4], [sflag:$0x1] =	stream.linear.gather [hbm4b:s1+s4], $0x800, $0x38;
	[tilespmem:$0x11800] =	vst v63  }
0x151: {  	_ =	swait.ge [sflag:s5], $0x800  }
0x152: {  	[sflag:s5] =	ssyncset.done $0x0  }
0x153: {  	[sflag:s5] =	ssyncadd.s32 $0xFFFFF800  }
.LBB2_7:
0x154: {  	_ =	swait.ge [sflag:s8], $0x8000  }
0x155: {  	[sflag:s8] =	ssyncset.done $0x0  }
0x156: {  	[sflag:s8] =	ssyncadd.s32 $0xFFFF8000  }
.LBB2_8:
0x157: {  	s1 =	simm.s32 $0x0;
	s2 =	simm.s32 $0x0  }
0x158: {  	s1 =	sand.u32 $0x400, s1;
	s2 =	sand.u32 $0x3FFFFF80, s2  }
0x159: {  	s2 =	sadd.s32 s2, s1  }
0x15a: {  	v7 =	vld [tilespmem:s2+$0x870]  }
0x15b: {  	v6 =	vld [tilespmem:s2+$0x800]  }
0x15c: {  	v5 =	vld [tilespmem:s2+$0x810]  }
0x15d: {  	v4 =	vld [tilespmem:s2+$0x820]  }
0x15e: {  	v3 =	vld [tilespmem:s2+$0x830]  }
0x15f: {  	v2 =	vld [tilespmem:s2+$0x840]  }
0x160: {  	v1 =	vld [tilespmem:s2+$0x850]  }
0x161: {  	v0 =	vld [tilespmem:s2+$0x860]  }
0x162: {  	v8 =	vld.idx.msk [tilespmem:v7+s13+$0x0], $0xffff  }
0x163: {  	v9 =	vld.idx.msk [tilespmem:v6+s13+$0x0], $0xffff  }
0x164: {  	v10 =	vld.idx.msk [tilespmem:v5+s13+$0x0], $0xffff  }
0x165: {  	s15 =	simm.s32 $0x0;
	v11 =	vld.idx.msk [tilespmem:v4+s13+$0x0], $0xffff  }
0x166: {  	s2 =	sand.u32 $0x3FFFF000, s15;
	v12 =	vld.idx.msk [tilespmem:v3+s13+$0x0], $0xffff  }
0x167: {  	s15 =	sor.u32 s1, s2;
	v13 =	vld.idx.msk [tilespmem:v2+s13+$0x0], $0xffff  }
0x168: {  	v14 =	vld.idx.msk [tilespmem:v1+s13+$0x0], $0xffff;
	[tilespmem:s15+$0x9870] =	vst v8  }
0x169: {  	[tilespmem:s15+$0x9800] =	vst v9;
	v9 =	vld.idx.msk [tilespmem:v0+s13+$0x0], $0xffff  }
0x16a: {  	[tilespmem:s15+$0x9810] =	vst v10;
	v8 =	vld.idx.msk [tilespmem:v7+s17+$0x0], $0xffff  }
0x16b: {  	[tilespmem:s15+$0x9820] =	vst v11;
	v10 =	vld.idx.msk [tilespmem:v6+s17+$0x0], $0xffff  }
0x16c: {  	[tilespmem:s15+$0x9830] =	vst v12;
	v11 =	vld.idx.msk [tilespmem:v5+s17+$0x0], $0xffff  }
0x16d: {  	[tilespmem:s15+$0x9840] =	vst v13;
	v21 =	vld.idx.msk [tilespmem:v4+s17+$0x0], $0xffff  }
0x16e: {  	[tilespmem:s15+$0x9850] =	vst v14;
	v22 =	vld.idx.msk [tilespmem:v3+s17+$0x0], $0xffff  }
0x16f: {  	v23 =	vld.idx.msk [tilespmem:v2+s17+$0x0], $0xffff;
	[tilespmem:s15+$0x9860] =	vst v9  }
0x170: {  	v9 =	vld.idx.msk [tilespmem:v1+s17+$0x0], $0xffff;
	[tilespmem:s15+$0x98F0] =	vst v8  }
0x171: {  	[tilespmem:s15+$0x9880] =	vst v10;
	v10 =	vld.idx.msk [tilespmem:v0+s17+$0x0], $0xffff  }
0x172: {  	[tilespmem:s15+$0x9890] =	vst v11;
	v8 =	vld.idx.msk [tilespmem:v7+s18+$0x0], $0xffff  }
0x173: {  	[tilespmem:s15+$0x98A0] =	vst v21;
	v11 =	vld.idx.msk [tilespmem:v6+s18+$0x0], $0xffff  }
0x174: {  	[tilespmem:s15+$0x98B0] =	vst v22;
	v24 =	vld.idx.msk [tilespmem:v5+s18+$0x0], $0xffff  }
0x175: {  	[tilespmem:s15+$0x98C0] =	vst v23;
	v25 =	vld.idx.msk [tilespmem:v4+s18+$0x0], $0xffff  }
0x176: {  	v26 =	vld.idx.msk [tilespmem:v3+s18+$0x0], $0xffff;
	[tilespmem:s15+$0x98D0] =	vst v9  }
0x177: {  	v9 =	vld.idx.msk [tilespmem:v2+s18+$0x0], $0xffff;
	[tilespmem:s15+$0x98E0] =	vst v10  }
0x178: {  	v10 =	vld.idx.msk [tilespmem:v1+s18+$0x0], $0xffff;
	[tilespmem:s15+$0x9970] =	vst v8  }
0x179: {  	[tilespmem:s15+$0x9900] =	vst v11;
	v11 =	vld.idx.msk [tilespmem:v0+s18+$0x0], $0xffff  }
0x17a: {  	[tilespmem:s15+$0x9910] =	vst v24;
	v8 =	vld.idx.msk [tilespmem:v7+s19+$0x0], $0xffff  }
0x17b: {  	[tilespmem:s15+$0x9920] =	vst v25;
	v27 =	vld.idx.msk [tilespmem:v6+s19+$0x0], $0xffff  }
0x17c: {  	[tilespmem:s15+$0x9930] =	vst v26;
	v28 =	vld.idx.msk [tilespmem:v5+s19+$0x0], $0xffff  }
0x17d: {  	v29 =	vld.idx.msk [tilespmem:v4+s19+$0x0], $0xffff;
	[tilespmem:s15+$0x9940] =	vst v9  }
0x17e: {  	v9 =	vld.idx.msk [tilespmem:v3+s19+$0x0], $0xffff;
	[tilespmem:s15+$0x9950] =	vst v10  }
0x17f: {  	v10 =	vld.idx.msk [tilespmem:v2+s19+$0x0], $0xffff;
	[tilespmem:s15+$0x9960] =	vst v11  }
0x180: {  	v11 =	vld.idx.msk [tilespmem:v1+s19+$0x0], $0xffff;
	[tilespmem:s15+$0x99F0] =	vst v8  }
0x181: {  	[tilespmem:s15+$0x9980] =	vst v27;
	v30 =	vld.idx.msk [tilespmem:v0+s19+$0x0], $0xffff  }
0x182: {  	[tilespmem:s15+$0x9990] =	vst v28;
	v8 =	vld.idx.msk [tilespmem:v7+s20+$0x0], $0xffff  }
0x183: {  	[tilespmem:s15+$0x99A0] =	vst v29;
	v31 =	vld.idx.msk [tilespmem:v6+s20+$0x0], $0xffff  }
0x184: {  	v32 =	vld.idx.msk [tilespmem:v5+s20+$0x0], $0xffff;
	[tilespmem:s15+$0x99B0] =	vst v9  }
0x185: {  	v9 =	vld.idx.msk [tilespmem:v4+s20+$0x0], $0xffff;
	[tilespmem:s15+$0x99C0] =	vst v10  }
0x186: {  	v10 =	vld.idx.msk [tilespmem:v3+s20+$0x0], $0xffff;
	[tilespmem:s15+$0x99D0] =	vst v11  }
0x187: {  	v11 =	vld.idx.msk [tilespmem:v2+s20+$0x0], $0xffff;
	[tilespmem:s15+$0x99E0] =	vst v30  }
0x188: {  	v33 =	vld.idx.msk [tilespmem:v1+s20+$0x0], $0xffff;
	[tilespmem:s15+$0x9A70] =	vst v8  }
0x189: {  	[tilespmem:s15+$0x9A00] =	vst v31;
	v34 =	vld.idx.msk [tilespmem:v0+s20+$0x0], $0xffff  }
0x18a: {  	[tilespmem:s15+$0x9A10] =	vst v32;
	v8 =	vld.idx.msk [tilespmem:v7+s21+$0x0], $0xffff  }
0x18b: {  	v35 =	vld.idx.msk [tilespmem:v6+s21+$0x0], $0xffff;
	[tilespmem:s15+$0x9A20] =	vst v9  }
0x18c: {  	v9 =	vld.idx.msk [tilespmem:v5+s21+$0x0], $0xffff;
	[tilespmem:s15+$0x9A30] =	vst v10  }
0x18d: {  	v10 =	vld.idx.msk [tilespmem:v4+s21+$0x0], $0xffff;
	[tilespmem:s15+$0x9A40] =	vst v11  }
0x18e: {  	v11 =	vld.idx.msk [tilespmem:v3+s21+$0x0], $0xffff;
	[tilespmem:s15+$0x9A50] =	vst v33  }
0x18f: {  	v36 =	vld.idx.msk [tilespmem:v2+s21+$0x0], $0xffff;
	[tilespmem:s15+$0x9A60] =	vst v34  }
0x190: {  	v37 =	vld.idx.msk [tilespmem:v1+s21+$0x0], $0xffff;
	[tilespmem:s15+$0x9AF0] =	vst v8  }
0x191: {  	[tilespmem:s15+$0x9A80] =	vst v35;
	v38 =	vld.idx.msk [tilespmem:v0+s21+$0x0], $0xffff  }
0x192: {  	[tilespmem:s15+$0x9A90] =	vst v9;
	v8 =	vld.idx.msk [tilespmem:v7+s22+$0x0], $0xffff  }
0x193: {  	v9 =	vld.idx.msk [tilespmem:v6+s22+$0x0], $0xffff;
	[tilespmem:s15+$0x9AA0] =	vst v10  }
0x194: {  	v10 =	vld.idx.msk [tilespmem:v5+s22+$0x0], $0xffff;
	[tilespmem:s15+$0x9AB0] =	vst v11  }
0x195: {  	v11 =	vld.idx.msk [tilespmem:v4+s22+$0x0], $0xffff;
	[tilespmem:s15+$0x9AC0] =	vst v36  }
0x196: {  	v39 =	vld.idx.msk [tilespmem:v3+s22+$0x0], $0xffff;
	[tilespmem:s15+$0x9AD0] =	vst v37  }
0x197: {  	v40 =	vld.idx.msk [tilespmem:v2+s22+$0x0], $0xffff;
	[tilespmem:s15+$0x9AE0] =	vst v38  }
0x198: {  	v41 =	vld.idx.msk [tilespmem:v1+s22+$0x0], $0xffff;
	[tilespmem:s15+$0x9B70] =	vst v8  }
0x199: {  	[tilespmem:s15+$0x9B00] =	vst v9;
	v9 =	vld.idx.msk [tilespmem:v0+s22+$0x0], $0xffff  }
0x19a: {  	[tilespmem:s15+$0x9B10] =	vst v10;
	v8 =	vld.idx.msk [tilespmem:v7+s23+$0x0], $0xffff  }
0x19b: {  	v10 =	vld.idx.msk [tilespmem:v6+s23+$0x0], $0xffff;
	[tilespmem:s15+$0x9B20] =	vst v11  }
0x19c: {  	v11 =	vld.idx.msk [tilespmem:v5+s23+$0x0], $0xffff;
	[tilespmem:s15+$0x9B30] =	vst v39  }
0x19d: {  	v42 =	vld.idx.msk [tilespmem:v4+s23+$0x0], $0xffff;
	[tilespmem:s15+$0x9B40] =	vst v40  }
0x19e: {  	v43 =	vld.idx.msk [tilespmem:v3+s23+$0x0], $0xffff;
	[tilespmem:s15+$0x9B50] =	vst v41  }
0x19f: {  	v44 =	vld.idx.msk [tilespmem:v2+s23+$0x0], $0xffff;
	[tilespmem:s15+$0x9B60] =	vst v9  }
0x1a0: {  	v9 =	vld.idx.msk [tilespmem:v1+s23+$0x0], $0xffff;
	[tilespmem:s15+$0x9BF0] =	vst v8  }
0x1a1: {  	[tilespmem:s15+$0x9B80] =	vst v10;
	v10 =	vld.idx.msk [tilespmem:v0+s23+$0x0], $0xffff  }
0x1a2: {  	[tilespmem:s15+$0x9B90] =	vst v11;
	v8 =	vld.idx.msk [tilespmem:v7+s24+$0x0], $0xffff  }
0x1a3: {  	v11 =	vld.idx.msk [tilespmem:v6+s24+$0x0], $0xffff;
	[tilespmem:s15+$0x9BA0] =	vst v42  }
0x1a4: {  	v45 =	vld.idx.msk [tilespmem:v5+s24+$0x0], $0xffff;
	[tilespmem:s15+$0x9BB0] =	vst v43  }
0x1a5: {  	v46 =	vld.idx.msk [tilespmem:v4+s24+$0x0], $0xffff;
	[tilespmem:s15+$0x9BC0] =	vst v44  }
0x1a6: {  	v47 =	vld.idx.msk [tilespmem:v3+s24+$0x0], $0xffff;
	[tilespmem:s15+$0x9BD0] =	vst v9  }
0x1a7: {  	v9 =	vld.idx.msk [tilespmem:v2+s24+$0x0], $0xffff;
	[tilespmem:s15+$0x9BE0] =	vst v10  }
0x1a8: {  	v10 =	vld.idx.msk [tilespmem:v1+s24+$0x0], $0xffff;
	[tilespmem:s15+$0xA070] =	vst v8  }
0x1a9: {  	[tilespmem:s15+$0xA000] =	vst v11;
	v11 =	vld.idx.msk [tilespmem:v0+s24+$0x0], $0xffff  }
0x1aa: {  	[tilespmem:s15+$0xA010] =	vst v45;
	v8 =	vld.idx.msk [tilespmem:v7+s25+$0x0], $0xffff  }
0x1ab: {  	v48 =	vld.idx.msk [tilespmem:v6+s25+$0x0], $0xffff;
	[tilespmem:s15+$0xA020] =	vst v46  }
0x1ac: {  	v49 =	vld.idx.msk [tilespmem:v5+s25+$0x0], $0xffff;
	[tilespmem:s15+$0xA030] =	vst v47  }
0x1ad: {  	v50 =	vld.idx.msk [tilespmem:v4+s25+$0x0], $0xffff;
	[tilespmem:s15+$0xA040] =	vst v9  }
0x1ae: {  	v9 =	vld.idx.msk [tilespmem:v3+s25+$0x0], $0xffff;
	[tilespmem:s15+$0xA050] =	vst v10  }
0x1af: {  	v10 =	vld.idx.msk [tilespmem:v2+s25+$0x0], $0xffff;
	[tilespmem:s15+$0xA060] =	vst v11  }
0x1b0: {  	v11 =	vld.idx.msk [tilespmem:v1+s25+$0x0], $0xffff;
	[tilespmem:s15+$0xA0F0] =	vst v8  }
0x1b1: {  	[tilespmem:s15+$0xA080] =	vst v48;
	v8 =	vld.idx.msk [tilespmem:v7+s26+$0x0], $0xffff  }
0x1b2: {  	[tilespmem:s15+$0xA090] =	vst v49;
	v51 =	vld.idx.msk [tilespmem:v0+s25+$0x0], $0xffff  }
0x1b3: {  	v52 =	vld.idx.msk [tilespmem:v6+s26+$0x0], $0xffff;
	[tilespmem:s15+$0xA0A0] =	vst v50  }
0x1b4: {  	v53 =	vld.idx.msk [tilespmem:v5+s26+$0x0], $0xffff;
	[tilespmem:s15+$0xA0B0] =	vst v9  }
0x1b5: {  	v9 =	vld.idx.msk [tilespmem:v4+s26+$0x0], $0xffff;
	[tilespmem:s15+$0xA0C0] =	vst v10  }
0x1b6: {  	v10 =	vld.idx.msk [tilespmem:v3+s26+$0x0], $0xffff;
	[tilespmem:s15+$0xA170] =	vst v8  }
0x1b7: {  	[tilespmem:s15+$0xA0D0] =	vst v11;
	v8 =	vld.idx.msk [tilespmem:v7+s28+$0x0], $0xffff  }
0x1b8: {  	v11 =	vld.idx.msk [tilespmem:v2+s26+$0x0], $0xffff;
	[tilespmem:s15+$0xA0E0] =	vst v51  }
0x1b9: {  	v54 =	vld.idx.msk [tilespmem:v1+s26+$0x0], $0xffff;
	[tilespmem:s15+$0xA100] =	vst v52  }
0x1ba: {  	[tilespmem:s15+$0xA110] =	vst v53;
	v55 =	vld.idx.msk [tilespmem:v0+s26+$0x0], $0xffff  }
0x1bb: {  	v56 =	vld.idx.msk [tilespmem:v6+s28+$0x0], $0xffff;
	[tilespmem:s15+$0xA120] =	vst v9  }
0x1bc: {  	v9 =	vld.idx.msk [tilespmem:v5+s28+$0x0], $0xffff;
	[tilespmem:s15+$0xA1F0] =	vst v8  }
0x1bd: {  	[tilespmem:s15+$0xA130] =	vst v10;
	v8 =	vld.idx.msk [tilespmem:v7+s29+$0x0], $0xffff  }
0x1be: {  	v10 =	vld.idx.msk [tilespmem:v4+s28+$0x0], $0xffff;
	[tilespmem:s15+$0xA140] =	vst v11  }
0x1bf: {  	v11 =	vld.idx.msk [tilespmem:v3+s28+$0x0], $0xffff;
	[tilespmem:s15+$0xA150] =	vst v54  }
0x1c0: {  	v57 =	vld.idx.msk [tilespmem:v2+s28+$0x0], $0xffff;
	[tilespmem:s15+$0xA160] =	vst v55  }
0x1c1: {  	v58 =	vld.idx.msk [tilespmem:v1+s28+$0x0], $0xffff;
	[tilespmem:s15+$0xA180] =	vst v56  }
0x1c2: {  	v59 =	vld.idx.msk [tilespmem:v0+s28+$0x0], $0xffff;
	[tilespmem:s15+$0xA270] =	vst v8  }
0x1c3: {  	[tilespmem:s15+$0xA190] =	vst v9;
	v8 =	vld.idx.msk [tilespmem:v7+s30+$0x0], $0xffff  }
0x1c4: {  	v9 =	vld.idx.msk [tilespmem:v6+s29+$0x0], $0xffff;
	[tilespmem:s15+$0xA1A0] =	vst v10  }
0x1c5: {  	v10 =	vld.idx.msk [tilespmem:v5+s29+$0x0], $0xffff;
	[tilespmem:s15+$0xA1B0] =	vst v11  }
0x1c6: {  	v11 =	vld.idx.msk [tilespmem:v4+s29+$0x0], $0xffff;
	[tilespmem:s15+$0xA1C0] =	vst v57  }
0x1c7: {  	v60 =	vld.idx.msk [tilespmem:v3+s29+$0x0], $0xffff;
	[tilespmem:s15+$0xA1D0] =	vst v58  }
0x1c8: {  	v61 =	vld.idx.msk [tilespmem:v2+s29+$0x0], $0xffff;
	[tilespmem:s15+$0xA2F0] =	vst v8  }
0x1c9: {  	[tilespmem:s15+$0xA1E0] =	vst v59;
	v8 =	vld.idx.msk [tilespmem:v7+s31+$0x0], $0xffff  }
0x1ca: {  	v62 =	vld.idx.msk [tilespmem:v1+s29+$0x0], $0xffff;
	[tilespmem:s15+$0xA200] =	vst v9  }
0x1cb: {  	[tilespmem:s15+$0xA210] =	vst v10;
	v9 =	vld.idx.msk [tilespmem:v6+s30+$0x0], $0xffff  }
0x1cc: {  	[tilespmem:s15+$0xA220] =	vst v11;
	v10 =	vld.idx.msk [tilespmem:v5+s30+$0x0], $0xffff  }
0x1cd: {  	[tilespmem:s15+$0xA230] =	vst v60;
	v11 =	vld.idx.msk [tilespmem:v4+s30+$0x0], $0xffff  }
0x1ce: {  	[tilespmem:s15+$0xA370] =	vst v8;
	v8 =	vld.idx.msk [tilespmem:v0+s29+$0x0], $0xffff  }
0x1cf: {  	[tilespmem:s15+$0xA240] =	vst v61;
	v7 =	vld.idx.msk [tilespmem:v7+s0+$0x0], $0xffff  }
0x1d0: {  	v12 =	vld.idx.msk [tilespmem:v3+s30+$0x0], $0xffff;
	[tilespmem:s15+$0xA250] =	vst v62  }
0x1d1: {  	v13 =	vld.idx.msk [tilespmem:v2+s30+$0x0], $0xffff;
	[tilespmem:s15+$0xA280] =	vst v9  }
0x1d2: {  	[tilespmem:s15+$0xA290] =	vst v10;
	v63 =	vld.idx.msk [tilespmem:v6+s31+$0x0], $0xffff  }
0x1d3: {  	v15 =	vld.idx.msk [tilespmem:v5+s31+$0x0], $0xffff;
	[tilespmem:s15+$0xA260] =	vst v8  }
0x1d4: {  	[tilespmem:s15+$0xA3F0] =	vst v7;
	v7 =	vld.idx.msk [tilespmem:v1+s30+$0x0], $0xffff  }
0x1d5: {  	[tilespmem:s15+$0xA2A0] =	vst v11;
	v9 =	vld.idx.msk [tilespmem:v0+s30+$0x0], $0xffff  }
0x1d6: {  	v11 =	vld.idx.msk [tilespmem:v4+s31+$0x0], $0xffff;
	[tilespmem:s15+$0xA2B0] =	vst v12  }
0x1d7: {  	v12 =	vld.idx.msk [tilespmem:v3+s31+$0x0], $0xffff;
	[tilespmem:s15+$0xA2C0] =	vst v13  }
0x1d8: {  	v10 =	vld.idx.msk [tilespmem:v2+s31+$0x0], $0xffff;
	[tilespmem:s15+$0xA310] =	vst v15  }
0x1d9: {  	v5 =	vld.idx.msk [tilespmem:v5+s0+$0x0], $0xffff;
	[tilespmem:s15+$0xA2D0] =	vst v7  }
0x1da: {  	[tilespmem:s15+$0xA2E0] =	vst v9;
	v8 =	vld.idx.msk [tilespmem:v1+s31+$0x0], $0xffff  }
0x1db: {  	[tilespmem:s15+$0xA300] =	vst v63;
	v9 =	vld.idx.msk [tilespmem:v0+s31+$0x0], $0xffff  }
0x1dc: {  	[tilespmem:s15+$0xA320] =	vst v11;
	v7 =	vld.idx.msk [tilespmem:v6+s0+$0x0], $0xffff  }
0x1dd: {  	s12 =	simm.s32 $0x0;
	s2 =	simm.s32 $0x0;
	[tilespmem:s15+$0xA330] =	vst v12;
	v6 =	vld.idx.msk [tilespmem:v4+s0+$0x0], $0xffff  }
.LBB2_9:
0x1de: {  	s12 =	sadd.s32 $0x8, s12;
	v3 =	vld.idx.msk [tilespmem:v3+s0+$0x0], $0xffff;
	[tilespmem:s15+$0xA340] =	vst v10;
	s2 =	sadd.s32 $0x1000, s2  }
0x1df: {  	s1 =	sshrl.u32 s2, $0x2;
	s11 =	sshll.u32 s12, $0x3;
	p0 =	slt.u32 s12, $0x78;
	v2 =	vld.idx.msk [tilespmem:v2+s0+$0x0], $0xffff;
	[tilespmem:s15+$0xA350] =	vst v8  }
0x1e0: {  	s1 =	sand.u32 $0x400, s1;
	s11 =	sand.u32 $0x3FFFFF80, s11;
	v1 =	vld.idx.msk [tilespmem:v1+s0+$0x0], $0xffff;
	[tilespmem:s15+$0xA360] =	vst v9  }
0x1e1: {  	s11 =	sadd.s32 s11, s1;
	[tilespmem:s15+$0xA380] =	vst v7;
	v0 =	vld.idx.msk [tilespmem:v0+s0+$0x0], $0xffff  }
0x1e2: {  	v7 =	vld [tilespmem:s11+$0x870];
	[tilespmem:s15+$0xA390] =	vst v5  }
0x1e3: {  	v4 =	vld [tilespmem:s11+$0x800];
	[tilespmem:s15+$0xA3A0] =	vst v6  }
0x1e4: {  	v5 =	vld [tilespmem:s11+$0x810];
	[tilespmem:s15+$0xA3B0] =	vst v3  }
0x1e5: {  	v6 =	vld [tilespmem:s11+$0x820];
	[tilespmem:s15+$0xA3C0] =	vst v2  }
0x1e6: {  	v3 =	vld [tilespmem:s11+$0x830];
	[tilespmem:s15+$0xA3D0] =	vst v1  }
0x1e7: {  	v2 =	vld [tilespmem:s11+$0x840];
	[tilespmem:s15+$0xA3E0] =	vst v0  }
0x1e8: {  	v1 =	vld [tilespmem:s11+$0x850]  }
0x1e9: {  	v0 =	vld [tilespmem:s11+$0x860]  }
0x1ea: {  	v8 =	vld.idx.msk [tilespmem:v7+s13+$0x0], $0xffff  }
0x1eb: {  	v9 =	vld.idx.msk [tilespmem:v4+s13+$0x0], $0xffff  }
0x1ec: {  	v10 =	vld.idx.msk [tilespmem:v5+s13+$0x0], $0xffff  }
0x1ed: {  	s11 =	sshll.u32 s12, $0x8;
	v11 =	vld.idx.msk [tilespmem:v6+s13+$0x0], $0xffff  }
0x1ee: {  	s11 =	sand.u32 $0x3FFFF000, s11;
	v12 =	vld.idx.msk [tilespmem:v3+s13+$0x0], $0xffff  }
0x1ef: {  	s15 =	sor.u32 s1, s11;
	v13 =	vld.idx.msk [tilespmem:v2+s13+$0x0], $0xffff  }
0x1f0: {  	v14 =	vld.idx.msk [tilespmem:v1+s13+$0x0], $0xffff;
	[tilespmem:s15+$0x9870] =	vst v8  }
0x1f1: {  	[tilespmem:s15+$0x9800] =	vst v9;
	v8 =	vld.idx.msk [tilespmem:v7+s17+$0x0], $0xffff  }
0x1f2: {  	[tilespmem:s15+$0x9810] =	vst v10;
	v9 =	vld.idx.msk [tilespmem:v0+s13+$0x0], $0xffff  }
0x1f3: {  	v10 =	vld.idx.msk [tilespmem:v4+s17+$0x0], $0xffff;
	[tilespmem:s15+$0x9820] =	vst v11  }
0x1f4: {  	v11 =	vld.idx.msk [tilespmem:v5+s17+$0x0], $0xffff;
	[tilespmem:s15+$0x9830] =	vst v12  }
0x1f5: {  	v12 =	vld.idx.msk [tilespmem:v6+s17+$0x0], $0xffff;
	[tilespmem:s15+$0x9840] =	vst v13  }
0x1f6: {  	v13 =	vld.idx.msk [tilespmem:v3+s17+$0x0], $0xffff;
	[tilespmem:s15+$0x9850] =	vst v14  }
0x1f7: {  	v14 =	vld.idx.msk [tilespmem:v2+s17+$0x0], $0xffff;
	[tilespmem:s15+$0x98F0] =	vst v8  }
0x1f8: {  	[tilespmem:s15+$0x9860] =	vst v9;
	v8 =	vld.idx.msk [tilespmem:v7+s18+$0x0], $0xffff  }
0x1f9: {  	[tilespmem:s15+$0x9880] =	vst v10;
	v9 =	vld.idx.msk [tilespmem:v1+s17+$0x0], $0xffff  }
0x1fa: {  	[tilespmem:s15+$0x9890] =	vst v11;
	v10 =	vld.idx.msk [tilespmem:v0+s17+$0x0], $0xffff  }
0x1fb: {  	v11 =	vld.idx.msk [tilespmem:v4+s18+$0x0], $0xffff;
	[tilespmem:s15+$0x98A0] =	vst v12  }
0x1fc: {  	v12 =	vld.idx.msk [tilespmem:v5+s18+$0x0], $0xffff;
	[tilespmem:s15+$0x98B0] =	vst v13  }
0x1fd: {  	v13 =	vld.idx.msk [tilespmem:v6+s18+$0x0], $0xffff;
	[tilespmem:s15+$0x98C0] =	vst v14  }
0x1fe: {  	v14 =	vld.idx.msk [tilespmem:v3+s18+$0x0], $0xffff;
	[tilespmem:s15+$0x9970] =	vst v8  }
0x1ff: {  	[tilespmem:s15+$0x98D0] =	vst v9;
	v8 =	vld.idx.msk [tilespmem:v7+s19+$0x0], $0xffff  }
0x200: {  	v9 =	vld.idx.msk [tilespmem:v2+s18+$0x0], $0xffff;
	[tilespmem:s15+$0x98E0] =	vst v10  }
0x201: {  	[tilespmem:s15+$0x9900] =	vst v11;
	v10 =	vld.idx.msk [tilespmem:v1+s18+$0x0], $0xffff  }
0x202: {  	[tilespmem:s15+$0x9910] =	vst v12;
	v11 =	vld.idx.msk [tilespmem:v0+s18+$0x0], $0xffff  }
0x203: {  	v12 =	vld.idx.msk [tilespmem:v4+s19+$0x0], $0xffff;
	[tilespmem:s15+$0x9920] =	vst v13  }
0x204: {  	v13 =	vld.idx.msk [tilespmem:v5+s19+$0x0], $0xffff;
	[tilespmem:s15+$0x9930] =	vst v14  }
0x205: {  	v14 =	vld.idx.msk [tilespmem:v6+s19+$0x0], $0xffff;
	[tilespmem:s15+$0x99F0] =	vst v8  }
0x206: {  	[tilespmem:s15+$0x9940] =	vst v9;
	v8 =	vld.idx.msk [tilespmem:v7+s20+$0x0], $0xffff  }
0x207: {  	v9 =	vld.idx.msk [tilespmem:v3+s19+$0x0], $0xffff;
	[tilespmem:s15+$0x9950] =	vst v10  }
0x208: {  	v10 =	vld.idx.msk [tilespmem:v2+s19+$0x0], $0xffff;
	[tilespmem:s15+$0x9960] =	vst v11  }
0x209: {  	[tilespmem:s15+$0x9980] =	vst v12;
	v11 =	vld.idx.msk [tilespmem:v1+s19+$0x0], $0xffff  }
0x20a: {  	[tilespmem:s15+$0x9990] =	vst v13;
	v12 =	vld.idx.msk [tilespmem:v0+s19+$0x0], $0xffff  }
0x20b: {  	v13 =	vld.idx.msk [tilespmem:v4+s20+$0x0], $0xffff;
	[tilespmem:s15+$0x99A0] =	vst v14  }
0x20c: {  	v14 =	vld.idx.msk [tilespmem:v5+s20+$0x0], $0xffff;
	[tilespmem:s15+$0x9A70] =	vst v8  }
0x20d: {  	[tilespmem:s15+$0x99B0] =	vst v9;
	v8 =	vld.idx.msk [tilespmem:v7+s21+$0x0], $0xffff  }
0x20e: {  	v9 =	vld.idx.msk [tilespmem:v6+s20+$0x0], $0xffff;
	[tilespmem:s15+$0x99C0] =	vst v10  }
0x20f: {  	v10 =	vld.idx.msk [tilespmem:v3+s20+$0x0], $0xffff;
	[tilespmem:s15+$0x99D0] =	vst v11  }
0x210: {  	v11 =	vld.idx.msk [tilespmem:v2+s20+$0x0], $0xffff;
	[tilespmem:s15+$0x99E0] =	vst v12  }
0x211: {  	[tilespmem:s15+$0x9A00] =	vst v13;
	v12 =	vld.idx.msk [tilespmem:v1+s20+$0x0], $0xffff  }
0x212: {  	[tilespmem:s15+$0x9A10] =	vst v14;
	v13 =	vld.idx.msk [tilespmem:v0+s20+$0x0], $0xffff  }
0x213: {  	v14 =	vld.idx.msk [tilespmem:v4+s21+$0x0], $0xffff;
	[tilespmem:s15+$0x9AF0] =	vst v8  }
0x214: {  	[tilespmem:s15+$0x9A20] =	vst v9;
	v8 =	vld.idx.msk [tilespmem:v7+s22+$0x0], $0xffff  }
0x215: {  	v9 =	vld.idx.msk [tilespmem:v5+s21+$0x0], $0xffff;
	[tilespmem:s15+$0x9A30] =	vst v10  }
0x216: {  	v10 =	vld.idx.msk [tilespmem:v6+s21+$0x0], $0xffff;
	[tilespmem:s15+$0x9A40] =	vst v11  }
0x217: {  	v11 =	vld.idx.msk [tilespmem:v3+s21+$0x0], $0xffff;
	[tilespmem:s15+$0x9A50] =	vst v12  }
0x218: {  	v12 =	vld.idx.msk [tilespmem:v2+s21+$0x0], $0xffff;
	[tilespmem:s15+$0x9A60] =	vst v13  }
0x219: {  	[tilespmem:s15+$0x9A80] =	vst v14;
	v13 =	vld.idx.msk [tilespmem:v1+s21+$0x0], $0xffff  }
0x21a: {  	v14 =	vld.idx.msk [tilespmem:v0+s21+$0x0], $0xffff;
	[tilespmem:s15+$0x9B70] =	vst v8  }
0x21b: {  	[tilespmem:s15+$0x9A90] =	vst v9;
	v8 =	vld.idx.msk [tilespmem:v7+s23+$0x0], $0xffff  }
0x21c: {  	v9 =	vld.idx.msk [tilespmem:v4+s22+$0x0], $0xffff;
	[tilespmem:s15+$0x9AA0] =	vst v10  }
0x21d: {  	v10 =	vld.idx.msk [tilespmem:v5+s22+$0x0], $0xffff;
	[tilespmem:s15+$0x9AB0] =	vst v11  }
0x21e: {  	v11 =	vld.idx.msk [tilespmem:v6+s22+$0x0], $0xffff;
	[tilespmem:s15+$0x9AC0] =	vst v12  }
0x21f: {  	v12 =	vld.idx.msk [tilespmem:v3+s22+$0x0], $0xffff;
	[tilespmem:s15+$0x9AD0] =	vst v13  }
0x220: {  	v13 =	vld.idx.msk [tilespmem:v2+s22+$0x0], $0xffff;
	[tilespmem:s15+$0x9AE0] =	vst v14  }
0x221: {  	v14 =	vld.idx.msk [tilespmem:v1+s22+$0x0], $0xffff;
	[tilespmem:s15+$0x9BF0] =	vst v8  }
0x222: {  	[tilespmem:s15+$0x9B00] =	vst v9;
	v8 =	vld.idx.msk [tilespmem:v7+s24+$0x0], $0xffff  }
0x223: {  	[tilespmem:s15+$0x9B10] =	vst v10;
	v9 =	vld.idx.msk [tilespmem:v0+s22+$0x0], $0xffff  }
0x224: {  	v10 =	vld.idx.msk [tilespmem:v4+s23+$0x0], $0xffff;
	[tilespmem:s15+$0x9B20] =	vst v11  }
0x225: {  	v11 =	vld.idx.msk [tilespmem:v5+s23+$0x0], $0xffff;
	[tilespmem:s15+$0x9B30] =	vst v12  }
0x226: {  	v12 =	vld.idx.msk [tilespmem:v6+s23+$0x0], $0xffff;
	[tilespmem:s15+$0x9B40] =	vst v13  }
0x227: {  	v13 =	vld.idx.msk [tilespmem:v3+s23+$0x0], $0xffff;
	[tilespmem:s15+$0x9B50] =	vst v14  }
0x228: {  	v14 =	vld.idx.msk [tilespmem:v2+s23+$0x0], $0xffff;
	[tilespmem:s15+$0xA070] =	vst v8  }
0x229: {  	[tilespmem:s15+$0x9B60] =	vst v9;
	v8 =	vld.idx.msk [tilespmem:v7+s25+$0x0], $0xffff  }
0x22a: {  	[tilespmem:s15+$0x9B80] =	vst v10;
	v9 =	vld.idx.msk [tilespmem:v1+s23+$0x0], $0xffff  }
0x22b: {  	[tilespmem:s15+$0x9B90] =	vst v11;
	v10 =	vld.idx.msk [tilespmem:v0+s23+$0x0], $0xffff  }
0x22c: {  	v11 =	vld.idx.msk [tilespmem:v4+s24+$0x0], $0xffff;
	[tilespmem:s15+$0x9BA0] =	vst v12  }
0x22d: {  	v12 =	vld.idx.msk [tilespmem:v5+s24+$0x0], $0xffff;
	[tilespmem:s15+$0x9BB0] =	vst v13  }
0x22e: {  	v13 =	vld.idx.msk [tilespmem:v6+s24+$0x0], $0xffff;
	[tilespmem:s15+$0x9BC0] =	vst v14  }
0x22f: {  	v14 =	vld.idx.msk [tilespmem:v3+s24+$0x0], $0xffff;
	[tilespmem:s15+$0xA0F0] =	vst v8  }
0x230: {  	[tilespmem:s15+$0x9BD0] =	vst v9;
	v8 =	vld.idx.msk [tilespmem:v7+s26+$0x0], $0xffff  }
0x231: {  	v9 =	vld.idx.msk [tilespmem:v2+s24+$0x0], $0xffff;
	[tilespmem:s15+$0x9BE0] =	vst v10  }
0x232: {  	[tilespmem:s15+$0xA000] =	vst v11;
	v10 =	vld.idx.msk [tilespmem:v1+s24+$0x0], $0xffff  }
0x233: {  	[tilespmem:s15+$0xA010] =	vst v12;
	v11 =	vld.idx.msk [tilespmem:v0+s24+$0x0], $0xffff  }
0x234: {  	v12 =	vld.idx.msk [tilespmem:v4+s25+$0x0], $0xffff;
	[tilespmem:s15+$0xA020] =	vst v13  }
0x235: {  	v13 =	vld.idx.msk [tilespmem:v5+s25+$0x0], $0xffff;
	[tilespmem:s15+$0xA030] =	vst v14  }
0x236: {  	v14 =	vld.idx.msk [tilespmem:v6+s25+$0x0], $0xffff;
	[tilespmem:s15+$0xA170] =	vst v8  }
0x237: {  	[tilespmem:s15+$0xA040] =	vst v9;
	v8 =	vld.idx.msk [tilespmem:v7+s28+$0x0], $0xffff  }
0x238: {  	v9 =	vld.idx.msk [tilespmem:v3+s25+$0x0], $0xffff;
	[tilespmem:s15+$0xA050] =	vst v10  }
0x239: {  	v10 =	vld.idx.msk [tilespmem:v2+s25+$0x0], $0xffff;
	[tilespmem:s15+$0xA060] =	vst v11  }
0x23a: {  	[tilespmem:s15+$0xA080] =	vst v12;
	v11 =	vld.idx.msk [tilespmem:v1+s25+$0x0], $0xffff  }
0x23b: {  	[tilespmem:s15+$0xA090] =	vst v13;
	v12 =	vld.idx.msk [tilespmem:v0+s25+$0x0], $0xffff  }
0x23c: {  	v13 =	vld.idx.msk [tilespmem:v4+s26+$0x0], $0xffff;
	[tilespmem:s15+$0xA0A0] =	vst v14  }
0x23d: {  	v14 =	vld.idx.msk [tilespmem:v5+s26+$0x0], $0xffff;
	[tilespmem:s15+$0xA1F0] =	vst v8  }
0x23e: {  	[tilespmem:s15+$0xA0B0] =	vst v9;
	v8 =	vld.idx.msk [tilespmem:v7+s29+$0x0], $0xffff  }
0x23f: {  	v9 =	vld.idx.msk [tilespmem:v6+s26+$0x0], $0xffff;
	[tilespmem:s15+$0xA0C0] =	vst v10  }
0x240: {  	v10 =	vld.idx.msk [tilespmem:v3+s26+$0x0], $0xffff;
	[tilespmem:s15+$0xA0D0] =	vst v11  }
0x241: {  	v11 =	vld.idx.msk [tilespmem:v2+s26+$0x0], $0xffff;
	[tilespmem:s15+$0xA0E0] =	vst v12  }
0x242: {  	[tilespmem:s15+$0xA100] =	vst v13;
	v12 =	vld.idx.msk [tilespmem:v1+s26+$0x0], $0xffff  }
0x243: {  	[tilespmem:s15+$0xA110] =	vst v14;
	v13 =	vld.idx.msk [tilespmem:v0+s26+$0x0], $0xffff  }
0x244: {  	v14 =	vld.idx.msk [tilespmem:v4+s28+$0x0], $0xffff;
	[tilespmem:s15+$0xA270] =	vst v8  }
0x245: {  	[tilespmem:s15+$0xA120] =	vst v9;
	v8 =	vld.idx.msk [tilespmem:v7+s30+$0x0], $0xffff  }
0x246: {  	v9 =	vld.idx.msk [tilespmem:v5+s28+$0x0], $0xffff;
	[tilespmem:s15+$0xA130] =	vst v10  }
0x247: {  	v10 =	vld.idx.msk [tilespmem:v6+s28+$0x0], $0xffff;
	[tilespmem:s15+$0xA140] =	vst v11  }
0x248: {  	v11 =	vld.idx.msk [tilespmem:v3+s28+$0x0], $0xffff;
	[tilespmem:s15+$0xA150] =	vst v12  }
0x249: {  	v12 =	vld.idx.msk [tilespmem:v2+s28+$0x0], $0xffff;
	[tilespmem:s15+$0xA160] =	vst v13  }
0x24a: {  	[tilespmem:s15+$0xA180] =	vst v14;
	v13 =	vld.idx.msk [tilespmem:v1+s28+$0x0], $0xffff  }
0x24b: {  	v14 =	vld.idx.msk [tilespmem:v0+s28+$0x0], $0xffff;
	[tilespmem:s15+$0xA2F0] =	vst v8  }
0x24c: {  	[tilespmem:s15+$0xA190] =	vst v9;
	v8 =	vld.idx.msk [tilespmem:v7+s31+$0x0], $0xffff  }
0x24d: {  	v9 =	vld.idx.msk [tilespmem:v4+s29+$0x0], $0xffff;
	[tilespmem:s15+$0xA1A0] =	vst v10  }
0x24e: {  	v10 =	vld.idx.msk [tilespmem:v5+s29+$0x0], $0xffff;
	[tilespmem:s15+$0xA1B0] =	vst v11  }
0x24f: {  	v11 =	vld.idx.msk [tilespmem:v6+s29+$0x0], $0xffff;
	[tilespmem:s15+$0xA1C0] =	vst v12  }
0x250: {  	v12 =	vld.idx.msk [tilespmem:v3+s29+$0x0], $0xffff;
	[tilespmem:s15+$0xA1D0] =	vst v13  }
0x251: {  	v13 =	vld.idx.msk [tilespmem:v2+s29+$0x0], $0xffff;
	[tilespmem:s15+$0xA1E0] =	vst v14  }
0x252: {  	v14 =	vld.idx.msk [tilespmem:v1+s29+$0x0], $0xffff;
	[tilespmem:s15+$0xA370] =	vst v8  }
0x253: {  	[tilespmem:s15+$0xA200] =	vst v9;
	v7 =	vld.idx.msk [tilespmem:v7+s0+$0x0], $0xffff  }
0x254: {  	[tilespmem:s15+$0xA210] =	vst v10;
	v8 =	vld.idx.msk [tilespmem:v0+s29+$0x0], $0xffff  }
0x255: {  	v9 =	vld.idx.msk [tilespmem:v4+s30+$0x0], $0xffff;
	[tilespmem:s15+$0xA220] =	vst v11  }
0x256: {  	v10 =	vld.idx.msk [tilespmem:v5+s30+$0x0], $0xffff;
	[tilespmem:s15+$0xA230] =	vst v12  }
0x257: {  	v11 =	vld.idx.msk [tilespmem:v6+s30+$0x0], $0xffff;
	[tilespmem:s15+$0xA240] =	vst v13  }
0x258: {  	v12 =	vld.idx.msk [tilespmem:v3+s30+$0x0], $0xffff;
	[tilespmem:s15+$0xA250] =	vst v14  }
0x259: {  	v13 =	vld.idx.msk [tilespmem:v2+s30+$0x0], $0xffff;
	[tilespmem:s15+$0xA3F0] =	vst v7  }
0x25a: {  	v7 =	vld.idx.msk [tilespmem:v1+s30+$0x0], $0xffff;
	[tilespmem:s15+$0xA260] =	vst v8  }
0x25b: {  	[tilespmem:s15+$0xA280] =	vst v9;
	v9 =	vld.idx.msk [tilespmem:v0+s30+$0x0], $0xffff  }
0x25c: {  	v14 =	vld.idx.msk [tilespmem:v4+s31+$0x0], $0xffff;
	[tilespmem:s15+$0xA290] =	vst v10  }
0x25d: {  	v15 =	vld.idx.msk [tilespmem:v5+s31+$0x0], $0xffff;
	[tilespmem:s15+$0xA2A0] =	vst v11  }
0x25e: {  	v11 =	vld.idx.msk [tilespmem:v6+s31+$0x0], $0xffff;
	[tilespmem:s15+$0xA2B0] =	vst v12  }
0x25f: {  	v12 =	vld.idx.msk [tilespmem:v3+s31+$0x0], $0xffff;
	[tilespmem:s15+$0xA2C0] =	vst v13  }
0x260: {  	v10 =	vld.idx.msk [tilespmem:v2+s31+$0x0], $0xffff;
	[tilespmem:s15+$0xA2D0] =	vst v7  }
.Ltmp6:
0x261: {  	v8 =	vld.idx.msk [tilespmem:v1+s31+$0x0], $0xffff;
	[tilespmem:s15+$0xA2E0] =	vst v9;
	(pc) =	sbr.rel @p0 .LBB2_9-.Ltmp6, $4  }
0x262: {  	[tilespmem:s15+$0xA300] =	vst v14;
	v9 =	vld.idx.msk [tilespmem:v0+s31+$0x0], $0xffff  }
0x263: {  	v7 =	vld.idx.msk [tilespmem:v4+s0+$0x0], $0xffff;
	[tilespmem:s15+$0xA310] =	vst v15  }
0x264: {  	v5 =	vld.idx.msk [tilespmem:v5+s0+$0x0], $0xffff;
	[tilespmem:s15+$0xA320] =	vst v11  }
0x265: {  	v6 =	vld.idx.msk [tilespmem:v6+s0+$0x0], $0xffff;
	[tilespmem:s15+$0xA330] =	vst v12  }
0x266: {  	_ =	sdelay $0x2  }
0x267: {  	[tilespmem:s15+$0xA340] =	vst v10  }
0x268: {  	v3 =	vld.idx.msk [tilespmem:v3+s0+$0x0], $0xffff;
	[tilespmem:s15+$0xA350] =	vst v8  }
0x269: {  	v2 =	vld.idx.msk [tilespmem:v2+s0+$0x0], $0xffff;
	[tilespmem:s15+$0xA360] =	vst v9  }
0x26a: {  	v1 =	vld.idx.msk [tilespmem:v1+s0+$0x0], $0xffff;
	[tilespmem:s15+$0xA380] =	vst v7  }
0x26b: {  	v0 =	vld.idx.msk [tilespmem:v0+s0+$0x0], $0xffff;
	[tilespmem:s15+$0xA390] =	vst v5  }
0x26c: {  	p0 =	seq.s32 s6, $0xF;
	[tilespmem:s15+$0xA3A0] =	vst v6  }
.Ltmp7:
0x26d: {  	[tilespmem:s15+$0xA3B0] =	vst v3;
	(pc) =	sbr.rel @p0 .LBB2_12-.Ltmp7, $4  }
0x26e: {  	s1 =	sor.u32 s10, s9;
	[tilespmem:s15+$0xA3C0] =	vst v2  }
0x26f: {  	s1 =	sshrl.u32 s1, $0x3;
	[tilespmem:s15+$0xA3D0] =	vst v1  }
0x270: {  	s2 =	simm.s32 $0x9800;
	s1 =	sadd.s32 s3, s1;
	[tilespmem:s15+$0xA3E0] =	vst v0  }
0x271: {  	[hbm4b:s1+s4] =	stream.linear.scatter [tilespmem:s2], [sflag:$0x4], $0x8000, $0x38;
	[tilespmem:$0x11800] =	vst v63  }
.Ltmp8:
0x272: {  	s1 =	rddreg [dreg:$0x8];
	(pc) =	sbr.rel .LBB2_2-.Ltmp8, $4  }
0x273: {  	s1 =	sadd.s32 s14, s1  }
0x274: {  	s2 =	rddreg [dreg:$0x0];
	s1 =	sshrl.u32 s1, $0x3  }
0x275: {  	s15 =	simm.s32 $0x800;
	s6 =	sadd.s32 $0x1, s6;
	s1 =	sadd.s32 s2, s1  }
0x276: {  	[tilespmem:s15], [sflag:$0x2] =	stream.linear.gather [hbm4b:s1+s4], $0x800, $0x38;
	[tilespmem:$0x11800] =	vst v63  }
.LBB2_13:
0x277: {  	_ =	sfence.sel $0x180000  }
0x278: {  	[bflag:$0x0] =	sbarrier.arrive $0xFFFF  }
0x279: {  	_ =	strace $0x90000047  }
0x27a: {  	s0 =	stileid.u32;
	[bflag:$0x2] =	sbarrier.arrive $0xFFFF  }
0x27b: {  	p0 =	sne.s32 s0, $0x0;
	s0 =	rddreg [dreg:$0x3]  }
0x27c: {  	s0 =	sadd.s32 @!p0 $0x100000, s0  }
0x27d: {  	[sflag:s0] =	ssyncadd.tile.s32 @!p0 $0x1;
	_ =	shalt  }
.Lfunc_end2:
_tile_overlayer_lowered:
.L_overlay_start_2:
0x27e: {  	(tag) =	ssettag $0x2  }
0x27f: {  	s0 =	rddreg [dreg:$0x0];
	s2 =	stileid.u32  }
0x280: {  	s1 =	rddreg [dreg:$0x1];
	p0 =	sne.s32 s2, $0x0  }
0x281: {  	s3 =	rddreg [dreg:$0x2];
	[bflag:$0x3] =	sbarrier.arrive $0xFFFF;
	s2 =	simm.s32 @!p0 $0x1C05  }
0x282: {  	[timem:s3], [sflag:s2] =	dma.local @!p0 [hbm:s0], s1  }
0x283: {  	s0 =	simm.s32 @!p0 $0x5  }
0x284: {  	_ =	swait.ge @!p0 [sflag:s0], s1  }
0x285: {  	s1 =	ssub.s32 @!p0 $0x0, s1;
	[sflag:s0] =	ssyncset.done @!p0 $0x0  }
0x286: {  	[sflag:s0] =	ssyncadd.s32 @!p0 s1  }
0x287: {  	[bflag:$0x3] =	sbarrier.arrive $0xFFFF  }
0x288: {  	_ =	shalt  }

</sc_bundles>
